<compile_context>
chip_gen: v7x
topology: tpu7x:2x2x1
jax: 0.10.2.dev20260603
libtpu: 0.0.44.dev20260713+nightly
codegen_flags: <defaults>
</compile_context>

<pallas_src>
import functools

import jax
import jax.numpy as jnp
from jax import lax
from jax.experimental import pallas as pl
from jax.experimental.pallas import tpu as pltpu
from jax.experimental.pallas import tpu_sc as plsc

NC = 2
NS = 16
NW = NC * NS
K = 88
GRP = 6
N_PAD = 10112
BLK = 128
DT = 136


def _mesh():
    return plsc.VectorSubcoreMesh(
        core_axis_name="c", subcore_axis_name="s",
        num_cores=NC, num_subcores=NS)


def _sc_params():
    return pltpu.CompilerParams(use_tc_tiling_on_sc=False)


def _sc_degree(row3, n_pad):
    nchunk = row3.shape[1]
    rps = n_pad // NS

    @functools.partial(
        pl.kernel,
        out_type=jax.ShapeDtypeStruct((NC, n_pad), jnp.float32),
        mesh=_mesh(),
        compiler_params=_sc_params(),
        scratch_types=[
            pltpu.VMEM((nchunk, K), jnp.int32),
            pltpu.VMEM((K,), jnp.float32),
            pltpu.SemaphoreType.DMA,
            pltpu.VMEM_SHARED((n_pad,), jnp.float32),
        ],
    )
    def deg_kernel(row_hbm, ones_hbm, zeros_hbm, deg_hbm,
                   row_v, ones_v, dsem, deg_sp):
        c = lax.axis_index("c")
        s = lax.axis_index("s")
        t = c * NS + s

        zsl = pl.ds(s * rps, rps)
        pltpu.async_copy(ones_hbm, ones_v, dsem)
        pltpu.async_copy(zeros_hbm, deg_sp.at[zsl], dsem)
        pltpu.async_copy(row_hbm.at[t], row_v, dsem)
        pltpu.make_async_copy(ones_hbm, ones_v, dsem).wait()
        pltpu.make_async_copy(zeros_hbm, deg_sp.at[zsl], dsem).wait()
        pltpu.make_async_copy(row_hbm.at[t], row_v, dsem).wait()
        plsc.subcore_barrier()

        def body(i, carry):
            j0 = i * GRP
            for u in range(GRP):
                pltpu.async_copy(ones_v, deg_sp.at[row_v.at[j0 + u]], dsem,
                                 add=True)
            for u in range(GRP):
                pltpu.make_async_copy(ones_v, deg_sp.at[row_v.at[j0 + u]],
                                      dsem).wait()
            return carry
        lax.fori_loop(0, nchunk // GRP, body, 0)

        plsc.subcore_barrier()
        sl = pl.ds(s * rps, rps)
        pltpu.sync_copy(deg_sp.at[sl], deg_hbm.at[c].at[sl])

    return deg_kernel(row3, jnp.ones((K,), jnp.float32),
                      jnp.zeros((rps,), jnp.float32))


def _sc_spmm(z, row3, col3, n_pad, dt):
    nchunk = row3.shape[1]
    rps = n_pad // NS

    @functools.partial(
        pl.kernel,
        out_type=jax.ShapeDtypeStruct((NC, n_pad, dt), jnp.float32),
        mesh=_mesh(),
        compiler_params=_sc_params(),
        scratch_types=[
            pltpu.VMEM((nchunk, K), jnp.int32),
            pltpu.VMEM((nchunk, K), jnp.int32),
            pltpu.VMEM((2, K, dt), jnp.float32),
            pltpu.SemaphoreType.DMA((2,)),
            pltpu.SemaphoreType.DMA((2,)),
            pltpu.VMEM_SHARED((n_pad, dt), jnp.float32),
        ],
    )
    def spmm_kernel(z_hbm, row_hbm, col_hbm, zeros_hbm, acc_hbm,
                    row_v, col_v, gbuf, gsem, ssem, acc_sp):
        c = lax.axis_index("c")
        s = lax.axis_index("s")
        t = c * NS + s

        zsl = pl.ds(s * rps, rps)
        pltpu.async_copy(zeros_hbm, acc_sp.at[zsl], gsem.at[0])
        pltpu.async_copy(row_hbm.at[t], row_v, gsem.at[1])
        pltpu.async_copy(col_hbm.at[t], col_v, gsem.at[1])
        pltpu.make_async_copy(zeros_hbm, acc_sp.at[zsl], gsem.at[0]).wait()
        pltpu.make_async_copy(row_hbm.at[t], row_v, gsem.at[1]).wait()
        pltpu.make_async_copy(col_hbm.at[t], col_v, gsem.at[1]).wait()
        plsc.subcore_barrier()

        def start_gather(j, p):
            pltpu.async_copy(z_hbm.at[col_v.at[j]], gbuf.at[p], gsem.at[p])

        def wait_gather(j, p):
            pltpu.make_async_copy(z_hbm.at[col_v.at[j]], gbuf.at[p],
                                  gsem.at[p]).wait()

        def start_scatter(j, p):
            pltpu.async_copy(gbuf.at[p], acc_sp.at[row_v.at[j]],
                             ssem.at[p], add=True)

        def wait_scatter(j, p):
            pltpu.make_async_copy(gbuf.at[p], acc_sp.at[row_v.at[j]],
                                  ssem.at[p]).wait()

        start_gather(0, 0)

        def body(i, carry):
            j0 = 2 * i
            wait_gather(j0, 0)
            start_scatter(j0, 0)
            @pl.when(j0 > 0)
            def _():
                wait_scatter(j0 - 1, 1)
            start_gather(j0 + 1, 1)
            wait_gather(j0 + 1, 1)
            start_scatter(j0 + 1, 1)
            wait_scatter(j0, 0)
            @pl.when(j0 + 2 < nchunk)
            def _():
                start_gather(j0 + 2, 0)
            return carry
        lax.fori_loop(0, nchunk // 2, body, 0)
        wait_scatter(nchunk - 1, 1)

        plsc.subcore_barrier()
        sl = pl.ds(s * rps, rps)
        pltpu.sync_copy(acc_sp.at[sl], acc_hbm.at[c].at[sl])

    return spmm_kernel(z, row3, col3, jnp.zeros((rps, dt), jnp.float32))


def _tc_build_z(x, m, deg0, deg1, n_pad, d):

    def zk(x_ref, m_ref, d0_ref, d1_ref, z_ref):
        deg = d0_ref[...] + d1_ref[...]
        dis = jnp.where(deg > 0, lax.rsqrt(jnp.maximum(deg, 1.0)), 0.0)
        mv = m_ref[...]
        dm = dis * mv
        xv = x_ref[...]
        xv = jnp.where(jnp.isnan(xv), 0.0, xv)
        z_ref[...] = jnp.concatenate(
            [xv * dm, dis, dm, jnp.zeros((BLK, DT - d - 2), jnp.float32)],
            axis=1)

    return pl.pallas_call(
        zk,
        grid=(n_pad // BLK,),
        in_specs=[
            pl.BlockSpec((BLK, d), lambda i: (i, 0)),
            pl.BlockSpec((BLK, 1), lambda i: (i, 0)),
            pl.BlockSpec((BLK, 1), lambda i: (i, 0)),
            pl.BlockSpec((BLK, 1), lambda i: (i, 0)),
        ],
        out_specs=pl.BlockSpec((BLK, DT), lambda i: (i, 0)),
        out_shape=jax.ShapeDtypeStruct((n_pad, DT), jnp.float32),
    )(x, m, deg0, deg1)


def _tc_final(acc, deg0, deg1, W, b2, n, n_pad, d, dt):

    def fk(a_ref, d0_ref, d1_ref, w_ref, b_ref, o_ref):
        a0 = a_ref[0]
        a1 = a_ref[1]
        bsum = a0[:, :d] + a1[:, :d]
        asum = a0[:, d:d + 1] + a1[:, d:d + 1]
        csum = a0[:, d + 1:d + 2] + a1[:, d + 1:d + 2]
        deg = d0_ref[...] + d1_ref[...]
        dis = jnp.where(deg > 0, lax.rsqrt(jnp.maximum(deg, 1.0)), 0.0)
        nz = csum != 0.0
        scale = jnp.where(nz, dis * asum / jnp.where(nz, csum, 1.0), 0.0)
        ratio = bsum * scale
        out = lax.dot_general(ratio, w_ref[...], (((1,), (1,)), ((), ())),
                              preferred_element_type=jnp.float32)
        o_ref[...] = out + b_ref[...]

    return pl.pallas_call(
        fk,
        grid=(n_pad // BLK,),
        in_specs=[
            pl.BlockSpec((2, BLK, dt), lambda i: (0, i, 0)),
            pl.BlockSpec((BLK, 1), lambda i: (i, 0)),
            pl.BlockSpec((BLK, 1), lambda i: (i, 0)),
            pl.BlockSpec((d, d), lambda i: (0, 0)),
            pl.BlockSpec((1, d), lambda i: (0, 0)),
        ],
        out_specs=pl.BlockSpec((BLK, d), lambda i: (i, 0)),
        out_shape=jax.ShapeDtypeStruct((n, d), jnp.float32),
    )(acc, deg0, deg1, W, b2)


def kernel(x, edge_index, train_mask, W, b):
    n, d = x.shape
    e = edge_index.shape[1]
    n_pad = N_PAD

    nchunk = -(-e // (NW * K))
    nchunk = -(-nchunk // GRP) * GRP
    e_pad = NW * nchunk * K

    pad_len = e_pad - e
    pad_iota = jnp.arange(pad_len, dtype=jnp.int32)
    row = jnp.concatenate(
        [edge_index[0], n + pad_iota % (n_pad - n)])
    col = jnp.concatenate(
        [edge_index[1], pad_iota % n])
    row3 = row.reshape(NW, nchunk, K)
    col3 = col.reshape(NW, nchunk, K)

    deg2 = _sc_degree(row3, n_pad)
    deg0 = deg2[0].reshape(n_pad, 1)
    deg1 = deg2[1].reshape(n_pad, 1)

    z = _tc_build_z(x, train_mask, deg0, deg1, n_pad, d)

    acc = _sc_spmm(z, row3, col3, n_pad, DT)

    return _tc_final(acc, deg0, deg1, W, b.reshape(1, d), n, n_pad, d, DT)

# --- scband reference (transcript-rebuilt; emitter-appended) ---
"""Pipeline reference for scband-pa-gnnconv-8607114461518 (READ-ONLY COPY).

The authoritative reference and input builder live on the scoring server;
editing this copy changes nothing except your own understanding.
"""

import jax, jax.numpy as jnp
import numpy as np

N = 10000
E = 320000
D_IN = 128
D_OUT = 128


def setup_inputs(seed: int = 0) -> dict:
    key = jax.random.key(seed)
    k1, k2, k3, k4 = jax.random.split(key, 4)
    x = jax.random.normal(k1, (N, D_IN), dtype=jnp.float32)
    edge_index = jax.random.randint(k2, (2, E), 0, N, dtype=jnp.int32)
    # train_mask buffer: 0/1 float mask of shape [N, 1] (mask is unused in the
    # taken branch since len(x) == len(train_mask))
    train_mask = (jax.random.uniform(k3, (N, 1)) < 0.5).astype(jnp.float32)
    # Linear layer parameters (torch.nn.Linear(in_features, out_features))
    W = jax.random.normal(k4, (D_OUT, D_IN), dtype=jnp.float32) * 0.05
    b = jnp.zeros((D_OUT,), dtype=jnp.float32)
    return {"x": x, "edge_index": edge_index, "train_mask": train_mask, "W": W, "b": b}


def reference(x, edge_index, train_mask, W, b):
    # x[x.isnan()] = 0
    x = jnp.nan_to_num(x)
    row = edge_index[0]
    col = edge_index[1]
    # get_symmetrically_normalized_adjacency: GCN-style D^{-1/2} A D^{-1/2}
    deg = jax.ops.segment_sum(jnp.ones((E,), dtype=jnp.float32), row, num_segments=N)
    deg_safe = jnp.where(deg > 0, deg, 1.0)
    dis = jnp.where(deg > 0, 1.0 / jnp.sqrt(deg_safe), 0.0)
    w = dis[row] * dis[col]

    def spmm(Y):
        # torch.sparse.mm(newadj, Y): out[i] = sum_{(i,j) in E} w_ij * Y[j]
        return jax.ops.segment_sum(w[:, None] * Y[col], row, num_segments=N)

    numerator = spmm(jnp.ones_like(x)) * spmm(train_mask * x)
    denominator = spmm(train_mask)
    # torch.nan_to_num(numerator / denominator): whenever denominator == 0 the
    # numerator is provably 0 too (same nonnegative edge weights * 0/1 mask),
    # so safe masked division is exactly equivalent.
    den_safe = jnp.where(denominator == 0.0, 1.0, denominator)
    ratio = jnp.where(denominator == 0.0, 0.0, numerator / den_safe)
    out = ratio @ W.T + b
    return out

if __name__ == "__main__":
    import jax
    _d = setup_inputs()
    print(jax.jit(kernel)(*tuple(_d.values())))

</pallas_src>

<mosaic_0001>
#map = affine_map<(d0, d1) -> (0, 0, 0)>
#map1 = affine_map<(d0, d1) -> (0)>
#map2 = affine_map<(d0, d1) -> (0, 0)>
module attributes {stable_mosaic.version = 14 : i64} {
  func.func @deg_kernel(%arg0: i32, %arg1: i32, %arg2: memref<32x114x88xi32, #tpu.memory_space<hbm>>, %arg3: memref<88xf32, #tpu.memory_space<hbm>>, %arg4: memref<632xf32, #tpu.memory_space<hbm>>, %arg5: memref<2x10112xf32, #tpu.memory_space<hbm>>, %arg6: memref<114x88xi32, #tpu.memory_space<vmem>>, %arg7: memref<88xf32, #tpu.memory_space<vmem>>, %arg8: memref<!tpu.dma_semaphore, #tpu.memory_space<semaphore_mem>>, %arg9: memref<10112xf32, #tpu.memory_space<vmem_shared>>) attributes {dimension_semantics = [#tpu.dimension_semantics<core_parallel>, #tpu.dimension_semantics<subcore_parallel>], iteration_bounds = array<i64: 2, 16>, scalar_prefetch = 0 : i64, scratch_operands = 4 : i64, tpu.core_type = #tpu.core_type<sc_vector_subcore>, window_params = [{transform_indices = #map}, {transform_indices = #map1}, {transform_indices = #map1}, {transform_indices = #map2}]} {
    %mul3A = arith.constant 16 : i32
    %mul3A_0 = arith.muli %arg0, %mul3A : i32
    %add3A = arith.addi %mul3A_0, %arg1 : i32
    %mul3A_1 = arith.constant 632 : i32
    %mul3A_2 = arith.muli %arg1, %mul3A_1 : i32
    tpu.enqueue_dma source(%arg3 : memref<88xf32, #tpu.memory_space<hbm>>) target(%arg7 : memref<88xf32, #tpu.memory_space<vmem>>) target_semaphore(%arg8 : memref<!tpu.dma_semaphore, #tpu.memory_space<semaphore_mem>>)
    %dma_start3A = tpu.memref_slice %arg9[%mul3A_2] : memref<10112xf32, #tpu.memory_space<vmem_shared>> -> memref<632xf32, #tpu.memory_space<vmem_shared>>
    tpu.enqueue_dma source(%arg4 : memref<632xf32, #tpu.memory_space<hbm>>) target(%dma_start3A : memref<632xf32, #tpu.memory_space<vmem_shared>>) target_semaphore(%arg8 : memref<!tpu.dma_semaphore, #tpu.memory_space<semaphore_mem>>)
    %dma_start3A_3 = arith.constant 0 : i32
    %dma_start3A_4 = arith.constant 0 : i32
    %dma_start3A_5 = tpu.memref_slice %arg2[%add3A, %dma_start3A_3, %dma_start3A_4] : memref<32x114x88xi32, #tpu.memory_space<hbm>> -> memref<1x114x88xi32, #tpu.memory_space<hbm>>
    %dma_start3A_6 = tpu.memref_squeeze %dma_start3A_5 : memref<1x114x88xi32, #tpu.memory_space<hbm>> -> memref<114x88xi32, #tpu.memory_space<hbm>>
    %dma_start3A_7 = arith.constant 0 : i32
    %dma_start3A_8 = arith.constant 0 : i32
    %dma_start3A_9 = tpu.memref_slice %arg2[%add3A, %dma_start3A_7, %dma_start3A_8] : memref<32x114x88xi32, #tpu.memory_space<hbm>> -> memref<1x114x88xi32, #tpu.memory_space<hbm>>
    %dma_start3A_10 = tpu.memref_squeeze %dma_start3A_9 : memref<1x114x88xi32, #tpu.memory_space<hbm>> -> memref<114x88xi32, #tpu.memory_space<hbm>>
    tpu.enqueue_dma source(%dma_start3A_10 : memref<114x88xi32, #tpu.memory_space<hbm>>) target(%arg6 : memref<114x88xi32, #tpu.memory_space<vmem>>) target_semaphore(%arg8 : memref<!tpu.dma_semaphore, #tpu.memory_space<semaphore_mem>>)
    tpu.wait_dma2 semaphore(%arg8 : memref<!tpu.dma_semaphore, #tpu.memory_space<semaphore_mem>>) src(%arg3 : memref<88xf32, #tpu.memory_space<hbm>>) dst(%arg7 : memref<88xf32, #tpu.memory_space<vmem>>)
    %dma_wait3A = tpu.memref_slice %arg9[%mul3A_2] : memref<10112xf32, #tpu.memory_space<vmem_shared>> -> memref<632xf32, #tpu.memory_space<vmem_shared>>
    tpu.wait_dma2 semaphore(%arg8 : memref<!tpu.dma_semaphore, #tpu.memory_space<semaphore_mem>>) src(%arg4 : memref<632xf32, #tpu.memory_space<hbm>>) dst(%dma_wait3A : memref<632xf32, #tpu.memory_space<vmem_shared>>)
    %dma_wait3A_11 = arith.constant 0 : i32
    %dma_wait3A_12 = arith.constant 0 : i32
    %dma_wait3A_13 = tpu.memref_slice %arg2[%add3A, %dma_wait3A_11, %dma_wait3A_12] : memref<32x114x88xi32, #tpu.memory_space<hbm>> -> memref<1x114x88xi32, #tpu.memory_space<hbm>>
    %dma_wait3A_14 = tpu.memref_squeeze %dma_wait3A_13 : memref<1x114x88xi32, #tpu.memory_space<hbm>> -> memref<114x88xi32, #tpu.memory_space<hbm>>
    %dma_wait3A_15 = arith.constant 0 : i32
    %dma_wait3A_16 = arith.constant 0 : i32
    %dma_wait3A_17 = tpu.memref_slice %arg2[%add3A, %dma_wait3A_15, %dma_wait3A_16] : memref<32x114x88xi32, #tpu.memory_space<hbm>> -> memref<1x114x88xi32, #tpu.memory_space<hbm>>
    %dma_wait3A_18 = tpu.memref_squeeze %dma_wait3A_17 : memref<1x114x88xi32, #tpu.memory_space<hbm>> -> memref<114x88xi32, #tpu.memory_space<hbm>>
    tpu.wait_dma2 semaphore(%arg8 : memref<!tpu.dma_semaphore, #tpu.memory_space<semaphore_mem>>) src(%dma_wait3A_18 : memref<114x88xi32, #tpu.memory_space<hbm>>) dst(%arg6 : memref<114x88xi32, #tpu.memory_space<vmem>>)
    %barrier3A = arith.constant 0 : index
    tpu.barrier barrier_id(%barrier3A)
    %scan3A = arith.constant 0 : i32
    %scan3A_19 = arith.constant 0 : i32
    %scan3A_20 = arith.constant 19 : i32
    %scan3A_21 = arith.addi %scan3A_19, %scan3A_20 : i32
    %scan3A_22 = arith.constant 1 : i32
    scf.for %scan3A_27 = %scan3A_19 to %scan3A_21 step %scan3A_22  : i32 {
      %mul3A_28 = arith.constant 6 : i32
      %mul3A_29 = arith.muli %scan3A_27, %mul3A_28 : i32
      %add3A_30 = arith.constant 0 : i32
      %add3A_31 = arith.addi %mul3A_29, %add3A_30 : i32
      %dma_start3A_32 = arith.constant 0 : i32
      %dma_start3A_33 = tpu.memref_slice %arg6[%add3A_31, %dma_start3A_32] : memref<114x88xi32, #tpu.memory_space<vmem>> -> memref<1x88xi32, #tpu.memory_space<vmem>>
      %dma_start3A_34 = tpu.memref_squeeze %dma_start3A_33 : memref<1x88xi32, #tpu.memory_space<vmem>> -> memref<88xi32, #tpu.memory_space<vmem>>
      %dma_start3A_35 = arith.constant 0 : i32
      %dma_start3A_36 = tpu.memref_slice %arg9[%dma_start3A_35] : memref<10112xf32, #tpu.memory_space<vmem_shared>> -> memref<10112xf32, #tpu.memory_space<vmem_shared>>
      tpu.enqueue_indirect_dma source(%arg7 : memref<88xf32, #tpu.memory_space<vmem>>) target(%dma_start3A_36 : memref<10112xf32, #tpu.memory_space<vmem_shared>>) offsets(%dma_start3A_34 : memref<88xi32, #tpu.memory_space<vmem>>) semaphore(%arg8 : memref<!tpu.dma_semaphore, #tpu.memory_space<semaphore_mem>>) {add = true}
      %add3A_37 = arith.constant 1 : i32
      %add3A_38 = arith.addi %mul3A_29, %add3A_37 : i32
      %dma_start3A_39 = arith.constant 0 : i32
      %dma_start3A_40 = tpu.memref_slice %arg6[%add3A_38, %dma_start3A_39] : memref<114x88xi32, #tpu.memory_space<vmem>> -> memref<1x88xi32, #tpu.memory_space<vmem>>
      %dma_start3A_41 = tpu.memref_squeeze %dma_start3A_40 : memref<1x88xi32, #tpu.memory_space<vmem>> -> memref<88xi32, #tpu.memory_space<vmem>>
      %dma_start3A_42 = arith.constant 0 : i32
      %dma_start3A_43 = tpu.memref_slice %arg9[%dma_start3A_42] : memref<10112xf32, #tpu.memory_space<vmem_shared>> -> memref<10112xf32, #tpu.memory_space<vmem_shared>>
      tpu.enqueue_indirect_dma source(%arg7 : memref<88xf32, #tpu.memory_space<vmem>>) target(%dma_start3A_43 : memref<10112xf32, #tpu.memory_space<vmem_shared>>) offsets(%dma_start3A_41 : memref<88xi32, #tpu.memory_space<vmem>>) semaphore(%arg8 : memref<!tpu.dma_semaphore, #tpu.memory_space<semaphore_mem>>) {add = true}
      %add3A_44 = arith.constant 2 : i32
      %add3A_45 = arith.addi %mul3A_29, %add3A_44 : i32
      %dma_start3A_46 = arith.constant 0 : i32
      %dma_start3A_47 = tpu.memref_slice %arg6[%add3A_45, %dma_start3A_46] : memref<114x88xi32, #tpu.memory_space<vmem>> -> memref<1x88xi32, #tpu.memory_space<vmem>>
      %dma_start3A_48 = tpu.memref_squeeze %dma_start3A_47 : memref<1x88xi32, #tpu.memory_space<vmem>> -> memref<88xi32, #tpu.memory_space<vmem>>
      %dma_start3A_49 = arith.constant 0 : i32
      %dma_start3A_50 = tpu.memref_slice %arg9[%dma_start3A_49] : memref<10112xf32, #tpu.memory_space<vmem_shared>> -> memref<10112xf32, #tpu.memory_space<vmem_shared>>
      tpu.enqueue_indirect_dma source(%arg7 : memref<88xf32, #tpu.memory_space<vmem>>) target(%dma_start3A_50 : memref<10112xf32, #tpu.memory_space<vmem_shared>>) offsets(%dma_start3A_48 : memref<88xi32, #tpu.memory_space<vmem>>) semaphore(%arg8 : memref<!tpu.dma_semaphore, #tpu.memory_space<semaphore_mem>>) {add = true}
      %add3A_51 = arith.constant 3 : i32
      %add3A_52 = arith.addi %mul3A_29, %add3A_51 : i32
      %dma_start3A_53 = arith.constant 0 : i32
      %dma_start3A_54 = tpu.memref_slice %arg6[%add3A_52, %dma_start3A_53] : memref<114x88xi32, #tpu.memory_space<vmem>> -> memref<1x88xi32, #tpu.memory_space<vmem>>
      %dma_start3A_55 = tpu.memref_squeeze %dma_start3A_54 : memref<1x88xi32, #tpu.memory_space<vmem>> -> memref<88xi32, #tpu.memory_space<vmem>>
      %dma_start3A_56 = arith.constant 0 : i32
      %dma_start3A_57 = tpu.memref_slice %arg9[%dma_start3A_56] : memref<10112xf32, #tpu.memory_space<vmem_shared>> -> memref<10112xf32, #tpu.memory_space<vmem_shared>>
      tpu.enqueue_indirect_dma source(%arg7 : memref<88xf32, #tpu.memory_space<vmem>>) target(%dma_start3A_57 : memref<10112xf32, #tpu.memory_space<vmem_shared>>) offsets(%dma_start3A_55 : memref<88xi32, #tpu.memory_space<vmem>>) semaphore(%arg8 : memref<!tpu.dma_semaphore, #tpu.memory_space<semaphore_mem>>) {add = true}
      %add3A_58 = arith.constant 4 : i32
      %add3A_59 = arith.addi %mul3A_29, %add3A_58 : i32
      %dma_start3A_60 = arith.constant 0 : i32
      %dma_start3A_61 = tpu.memref_slice %arg6[%add3A_59, %dma_start3A_60] : memref<114x88xi32, #tpu.memory_space<vmem>> -> memref<1x88xi32, #tpu.memory_space<vmem>>
      %dma_start3A_62 = tpu.memref_squeeze %dma_start3A_61 : memref<1x88xi32, #tpu.memory_space<vmem>> -> memref<88xi32, #tpu.memory_space<vmem>>
      %dma_start3A_63 = arith.constant 0 : i32
      %dma_start3A_64 = tpu.memref_slice %arg9[%dma_start3A_63] : memref<10112xf32, #tpu.memory_space<vmem_shared>> -> memref<10112xf32, #tpu.memory_space<vmem_shared>>
      tpu.enqueue_indirect_dma source(%arg7 : memref<88xf32, #tpu.memory_space<vmem>>) target(%dma_start3A_64 : memref<10112xf32, #tpu.memory_space<vmem_shared>>) offsets(%dma_start3A_62 : memref<88xi32, #tpu.memory_space<vmem>>) semaphore(%arg8 : memref<!tpu.dma_semaphore, #tpu.memory_space<semaphore_mem>>) {add = true}
      %add3A_65 = arith.constant 5 : i32
      %add3A_66 = arith.addi %mul3A_29, %add3A_65 : i32
      %dma_start3A_67 = arith.constant 0 : i32
      %dma_start3A_68 = tpu.memref_slice %arg6[%add3A_66, %dma_start3A_67] : memref<114x88xi32, #tpu.memory_space<vmem>> -> memref<1x88xi32, #tpu.memory_space<vmem>>
      %dma_start3A_69 = tpu.memref_squeeze %dma_start3A_68 : memref<1x88xi32, #tpu.memory_space<vmem>> -> memref<88xi32, #tpu.memory_space<vmem>>
      %dma_start3A_70 = arith.constant 0 : i32
      %dma_start3A_71 = tpu.memref_slice %arg9[%dma_start3A_70] : memref<10112xf32, #tpu.memory_space<vmem_shared>> -> memref<10112xf32, #tpu.memory_space<vmem_shared>>
      tpu.enqueue_indirect_dma source(%arg7 : memref<88xf32, #tpu.memory_space<vmem>>) target(%dma_start3A_71 : memref<10112xf32, #tpu.memory_space<vmem_shared>>) offsets(%dma_start3A_69 : memref<88xi32, #tpu.memory_space<vmem>>) semaphore(%arg8 : memref<!tpu.dma_semaphore, #tpu.memory_space<semaphore_mem>>) {add = true}
      %add3A_72 = arith.constant 0 : i32
      %add3A_73 = arith.addi %mul3A_29, %add3A_72 : i32
      %dma_wait3A_74 = arith.constant 0 : i32
      %dma_wait3A_75 = tpu.memref_slice %arg6[%add3A_73, %dma_wait3A_74] : memref<114x88xi32, #tpu.memory_space<vmem>> -> memref<1x88xi32, #tpu.memory_space<vmem>>
      %dma_wait3A_76 = tpu.memref_squeeze %dma_wait3A_75 : memref<1x88xi32, #tpu.memory_space<vmem>> -> memref<88xi32, #tpu.memory_space<vmem>>
      %dma_wait3A_77 = arith.constant 0 : i32
      %dma_wait3A_78 = tpu.memref_slice %arg9[%dma_wait3A_77] : memref<10112xf32, #tpu.memory_space<vmem_shared>> -> memref<10112xf32, #tpu.memory_space<vmem_shared>>
      tpu.wait_indirect_dma semaphore(%arg8 : memref<!tpu.dma_semaphore, #tpu.memory_space<semaphore_mem>>) src(%arg7 : memref<88xf32, #tpu.memory_space<vmem>>) dst(%dma_wait3A_78 : memref<10112xf32, #tpu.memory_space<vmem_shared>>)
      %add3A_79 = arith.constant 1 : i32
      %add3A_80 = arith.addi %mul3A_29, %add3A_79 : i32
      %dma_wait3A_81 = arith.constant 0 : i32
      %dma_wait3A_82 = tpu.memref_slice %arg6[%add3A_80, %dma_wait3A_81] : memref<114x88xi32, #tpu.memory_space<vmem>> -> memref<1x88xi32, #tpu.memory_space<vmem>>
      %dma_wait3A_83 = tpu.memref_squeeze %dma_wait3A_82 : memref<1x88xi32, #tpu.memory_space<vmem>> -> memref<88xi32, #tpu.memory_space<vmem>>
      %dma_wait3A_84 = arith.constant 0 : i32
      %dma_wait3A_85 = tpu.memref_slice %arg9[%dma_wait3A_84] : memref<10112xf32, #tpu.memory_space<vmem_shared>> -> memref<10112xf32, #tpu.memory_space<vmem_shared>>
      tpu.wait_indirect_dma semaphore(%arg8 : memref<!tpu.dma_semaphore, #tpu.memory_space<semaphore_mem>>) src(%arg7 : memref<88xf32, #tpu.memory_space<vmem>>) dst(%dma_wait3A_85 : memref<10112xf32, #tpu.memory_space<vmem_shared>>)
      %add3A_86 = arith.constant 2 : i32
      %add3A_87 = arith.addi %mul3A_29, %add3A_86 : i32
      %dma_wait3A_88 = arith.constant 0 : i32
      %dma_wait3A_89 = tpu.memref_slice %arg6[%add3A_87, %dma_wait3A_88] : memref<114x88xi32, #tpu.memory_space<vmem>> -> memref<1x88xi32, #tpu.memory_space<vmem>>
      %dma_wait3A_90 = tpu.memref_squeeze %dma_wait3A_89 : memref<1x88xi32, #tpu.memory_space<vmem>> -> memref<88xi32, #tpu.memory_space<vmem>>
      %dma_wait3A_91 = arith.constant 0 : i32
      %dma_wait3A_92 = tpu.memref_slice %arg9[%dma_wait3A_91] : memref<10112xf32, #tpu.memory_space<vmem_shared>> -> memref<10112xf32, #tpu.memory_space<vmem_shared>>
      tpu.wait_indirect_dma semaphore(%arg8 : memref<!tpu.dma_semaphore, #tpu.memory_space<semaphore_mem>>) src(%arg7 : memref<88xf32, #tpu.memory_space<vmem>>) dst(%dma_wait3A_92 : memref<10112xf32, #tpu.memory_space<vmem_shared>>)
      %add3A_93 = arith.constant 3 : i32
      %add3A_94 = arith.addi %mul3A_29, %add3A_93 : i32
      %dma_wait3A_95 = arith.constant 0 : i32
      %dma_wait3A_96 = tpu.memref_slice %arg6[%add3A_94, %dma_wait3A_95] : memref<114x88xi32, #tpu.memory_space<vmem>> -> memref<1x88xi32, #tpu.memory_space<vmem>>
      %dma_wait3A_97 = tpu.memref_squeeze %dma_wait3A_96 : memref<1x88xi32, #tpu.memory_space<vmem>> -> memref<88xi32, #tpu.memory_space<vmem>>
      %dma_wait3A_98 = arith.constant 0 : i32
      %dma_wait3A_99 = tpu.memref_slice %arg9[%dma_wait3A_98] : memref<10112xf32, #tpu.memory_space<vmem_shared>> -> memref<10112xf32, #tpu.memory_space<vmem_shared>>
      tpu.wait_indirect_dma semaphore(%arg8 : memref<!tpu.dma_semaphore, #tpu.memory_space<semaphore_mem>>) src(%arg7 : memref<88xf32, #tpu.memory_space<vmem>>) dst(%dma_wait3A_99 : memref<10112xf32, #tpu.memory_space<vmem_shared>>)
      %add3A_100 = arith.constant 4 : i32
      %add3A_101 = arith.addi %mul3A_29, %add3A_100 : i32
      %dma_wait3A_102 = arith.constant 0 : i32
      %dma_wait3A_103 = tpu.memref_slice %arg6[%add3A_101, %dma_wait3A_102] : memref<114x88xi32, #tpu.memory_space<vmem>> -> memref<1x88xi32, #tpu.memory_space<vmem>>
      %dma_wait3A_104 = tpu.memref_squeeze %dma_wait3A_103 : memref<1x88xi32, #tpu.memory_space<vmem>> -> memref<88xi32, #tpu.memory_space<vmem>>
      %dma_wait3A_105 = arith.constant 0 : i32
      %dma_wait3A_106 = tpu.memref_slice %arg9[%dma_wait3A_105] : memref<10112xf32, #tpu.memory_space<vmem_shared>> -> memref<10112xf32, #tpu.memory_space<vmem_shared>>
      tpu.wait_indirect_dma semaphore(%arg8 : memref<!tpu.dma_semaphore, #tpu.memory_space<semaphore_mem>>) src(%arg7 : memref<88xf32, #tpu.memory_space<vmem>>) dst(%dma_wait3A_106 : memref<10112xf32, #tpu.memory_space<vmem_shared>>)
      %add3A_107 = arith.constant 5 : i32
      %add3A_108 = arith.addi %mul3A_29, %add3A_107 : i32
      %dma_wait3A_109 = arith.constant 0 : i32
      %dma_wait3A_110 = tpu.memref_slice %arg6[%add3A_108, %dma_wait3A_109] : memref<114x88xi32, #tpu.memory_space<vmem>> -> memref<1x88xi32, #tpu.memory_space<vmem>>
      %dma_wait3A_111 = tpu.memref_squeeze %dma_wait3A_110 : memref<1x88xi32, #tpu.memory_space<vmem>> -> memref<88xi32, #tpu.memory_space<vmem>>
      %dma_wait3A_112 = arith.constant 0 : i32
      %dma_wait3A_113 = tpu.memref_slice %arg9[%dma_wait3A_112] : memref<10112xf32, #tpu.memory_space<vmem_shared>> -> memref<10112xf32, #tpu.memory_space<vmem_shared>>
      tpu.wait_indirect_dma semaphore(%arg8 : memref<!tpu.dma_semaphore, #tpu.memory_space<semaphore_mem>>) src(%arg7 : memref<88xf32, #tpu.memory_space<vmem>>) dst(%dma_wait3A_113 : memref<10112xf32, #tpu.memory_space<vmem_shared>>)
    }
    %scan3A_23 = arith.constant 19 : i32
    %barrier3A_24 = arith.constant 0 : index
    tpu.barrier barrier_id(%barrier3A_24)
    %mul3A_25 = arith.constant 632 : i32
    %mul3A_26 = arith.muli %arg1, %mul3A_25 : i32
    "tpu.region"() ({
      %run_scoped3A = tpu.sem_alloc : memref<!tpu.dma_semaphore, #tpu.memory_space<semaphore_mem>>
      %dma_start3A_27 = arith.constant 0 : i32
      %dma_start3A_28 = tpu.memref_slice %arg5[%arg0, %dma_start3A_27] : memref<2x10112xf32, #tpu.memory_space<hbm>> -> memref<1x10112xf32, #tpu.memory_space<hbm>>
      %dma_start3A_29 = tpu.memref_squeeze %dma_start3A_28 : memref<1x10112xf32, #tpu.memory_space<hbm>> -> memref<10112xf32, #tpu.memory_space<hbm>>
      %dma_start3A_30 = tpu.memref_slice %dma_start3A_29[%mul3A_26] : memref<10112xf32, #tpu.memory_space<hbm>> -> memref<632xf32, #tpu.memory_space<hbm>>
      %dma_start3A_31 = tpu.memref_slice %arg9[%mul3A_26] : memref<10112xf32, #tpu.memory_space<vmem_shared>> -> memref<632xf32, #tpu.memory_space<vmem_shared>>
      tpu.enqueue_dma source(%dma_start3A_31 : memref<632xf32, #tpu.memory_space<vmem_shared>>) target(%dma_start3A_30 : memref<632xf32, #tpu.memory_space<hbm>>) target_semaphore(%run_scoped3A : memref<!tpu.dma_semaphore, #tpu.memory_space<semaphore_mem>>)
      %dma_wait3A_32 = arith.constant 0 : i32
      %dma_wait3A_33 = tpu.memref_slice %arg5[%arg0, %dma_wait3A_32] : memref<2x10112xf32, #tpu.memory_space<hbm>> -> memref<1x10112xf32, #tpu.memory_space<hbm>>
      %dma_wait3A_34 = tpu.memref_squeeze %dma_wait3A_33 : memref<1x10112xf32, #tpu.memory_space<hbm>> -> memref<10112xf32, #tpu.memory_space<hbm>>
      %dma_wait3A_35 = tpu.memref_slice %dma_wait3A_34[%mul3A_26] : memref<10112xf32, #tpu.memory_space<hbm>> -> memref<632xf32, #tpu.memory_space<hbm>>
      %dma_wait3A_36 = tpu.memref_slice %arg9[%mul3A_26] : memref<10112xf32, #tpu.memory_space<vmem_shared>> -> memref<632xf32, #tpu.memory_space<vmem_shared>>
      tpu.wait_dma2 semaphore(%run_scoped3A : memref<!tpu.dma_semaphore, #tpu.memory_space<semaphore_mem>>) src(%dma_wait3A_36 : memref<632xf32, #tpu.memory_space<vmem_shared>>) dst(%dma_wait3A_35 : memref<632xf32, #tpu.memory_space<hbm>>)
      tpu.yield
    }) : () -> ()
    return
  }
}

#map = affine_map<(d0, d1) -> (0, 0)>
#map1 = affine_map<(d0, d1) -> (0, 0, 0)>
module attributes {stable_mosaic.version = 14 : i64} {
  func.func @spmm_kernel(%arg0: i32, %arg1: i32, %arg2: memref<10112x136xf32, #tpu.memory_space<hbm>>, %arg3: memref<32x114x88xi32, #tpu.memory_space<hbm>>, %arg4: memref<32x114x88xi32, #tpu.memory_space<hbm>>, %arg5: memref<632x136xf32, #tpu.memory_space<hbm>>, %arg6: memref<2x10112x136xf32, #tpu.memory_space<hbm>>, %arg7: memref<114x88xi32, #tpu.memory_space<vmem>>, %arg8: memref<114x88xi32, #tpu.memory_space<vmem>>, %arg9: memref<2x88x136xf32, #tpu.memory_space<vmem>>, %arg10: memref<2x!tpu.dma_semaphore, #tpu.memory_space<semaphore_mem>>, %arg11: memref<2x!tpu.dma_semaphore, #tpu.memory_space<semaphore_mem>>, %arg12: memref<10112x136xf32, #tpu.memory_space<vmem_shared>>) attributes {dimension_semantics = [#tpu.dimension_semantics<core_parallel>, #tpu.dimension_semantics<subcore_parallel>], iteration_bounds = array<i64: 2, 16>, scalar_prefetch = 0 : i64, scratch_operands = 6 : i64, tpu.core_type = #tpu.core_type<sc_vector_subcore>, window_params = [{transform_indices = #map}, {transform_indices = #map1}, {transform_indices = #map1}, {transform_indices = #map}, {transform_indices = #map1}]} {
    %mul3A = arith.constant 16 : i32
    %mul3A_0 = arith.muli %arg0, %mul3A : i32
    %add3A = arith.addi %mul3A_0, %arg1 : i32
    %mul3A_1 = arith.constant 632 : i32
    %mul3A_2 = arith.muli %arg1, %mul3A_1 : i32
    %dma_start3A = arith.constant 0 : i32
    %dma_start3A_3 = tpu.memref_slice %arg10[%dma_start3A] : memref<2x!tpu.dma_semaphore, #tpu.memory_space<semaphore_mem>> -> memref<1x!tpu.dma_semaphore, #tpu.memory_space<semaphore_mem>>
    %dma_start3A_4 = tpu.memref_squeeze %dma_start3A_3 : memref<1x!tpu.dma_semaphore, #tpu.memory_space<semaphore_mem>> -> memref<!tpu.dma_semaphore, #tpu.memory_space<semaphore_mem>>
    %dma_start3A_5 = arith.constant 0 : i32
    %dma_start3A_6 = tpu.memref_slice %arg12[%mul3A_2, %dma_start3A_5] : memref<10112x136xf32, #tpu.memory_space<vmem_shared>> -> memref<632x136xf32, #tpu.memory_space<vmem_shared>>
    tpu.enqueue_dma source(%arg5 : memref<632x136xf32, #tpu.memory_space<hbm>>) target(%dma_start3A_6 : memref<632x136xf32, #tpu.memory_space<vmem_shared>>) target_semaphore(%dma_start3A_4 : memref<!tpu.dma_semaphore, #tpu.memory_space<semaphore_mem>>)
    %dma_start3A_7 = arith.constant 1 : i32
    %dma_start3A_8 = arith.constant 0 : i32
    %dma_start3A_9 = arith.constant 0 : i32
    %dma_start3A_10 = tpu.memref_slice %arg3[%add3A, %dma_start3A_8, %dma_start3A_9] : memref<32x114x88xi32, #tpu.memory_space<hbm>> -> memref<1x114x88xi32, #tpu.memory_space<hbm>>
    %dma_start3A_11 = tpu.memref_squeeze %dma_start3A_10 : memref<1x114x88xi32, #tpu.memory_space<hbm>> -> memref<114x88xi32, #tpu.memory_space<hbm>>
    %dma_start3A_12 = tpu.memref_slice %arg10[%dma_start3A_7] : memref<2x!tpu.dma_semaphore, #tpu.memory_space<semaphore_mem>> -> memref<1x!tpu.dma_semaphore, #tpu.memory_space<semaphore_mem>>
    %dma_start3A_13 = tpu.memref_squeeze %dma_start3A_12 : memref<1x!tpu.dma_semaphore, #tpu.memory_space<semaphore_mem>> -> memref<!tpu.dma_semaphore, #tpu.memory_space<semaphore_mem>>
    %dma_start3A_14 = arith.constant 0 : i32
    %dma_start3A_15 = arith.constant 0 : i32
    %dma_start3A_16 = tpu.memref_slice %arg3[%add3A, %dma_start3A_14, %dma_start3A_15] : memref<32x114x88xi32, #tpu.memory_space<hbm>> -> memref<1x114x88xi32, #tpu.memory_space<hbm>>
    %dma_start3A_17 = tpu.memref_squeeze %dma_start3A_16 : memref<1x114x88xi32, #tpu.memory_space<hbm>> -> memref<114x88xi32, #tpu.memory_space<hbm>>
    tpu.enqueue_dma source(%dma_start3A_17 : memref<114x88xi32, #tpu.memory_space<hbm>>) target(%arg7 : memref<114x88xi32, #tpu.memory_space<vmem>>) target_semaphore(%dma_start3A_13 : memref<!tpu.dma_semaphore, #tpu.memory_space<semaphore_mem>>)
    %dma_start3A_18 = arith.constant 1 : i32
    %dma_start3A_19 = arith.constant 0 : i32
    %dma_start3A_20 = arith.constant 0 : i32
    %dma_start3A_21 = tpu.memref_slice %arg4[%add3A, %dma_start3A_19, %dma_start3A_20] : memref<32x114x88xi32, #tpu.memory_space<hbm>> -> memref<1x114x88xi32, #tpu.memory_space<hbm>>
    %dma_start3A_22 = tpu.memref_squeeze %dma_start3A_21 : memref<1x114x88xi32, #tpu.memory_space<hbm>> -> memref<114x88xi32, #tpu.memory_space<hbm>>
    %dma_start3A_23 = tpu.memref_slice %arg10[%dma_start3A_18] : memref<2x!tpu.dma_semaphore, #tpu.memory_space<semaphore_mem>> -> memref<1x!tpu.dma_semaphore, #tpu.memory_space<semaphore_mem>>
    %dma_start3A_24 = tpu.memref_squeeze %dma_start3A_23 : memref<1x!tpu.dma_semaphore, #tpu.memory_space<semaphore_mem>> -> memref<!tpu.dma_semaphore, #tpu.memory_space<semaphore_mem>>
    %dma_start3A_25 = arith.constant 0 : i32
    %dma_start3A_26 = arith.constant 0 : i32
    %dma_start3A_27 = tpu.memref_slice %arg4[%add3A, %dma_start3A_25, %dma_start3A_26] : memref<32x114x88xi32, #tpu.memory_space<hbm>> -> memref<1x114x88xi32, #tpu.memory_space<hbm>>
    %dma_start3A_28 = tpu.memref_squeeze %dma_start3A_27 : memref<1x114x88xi32, #tpu.memory_space<hbm>> -> memref<114x88xi32, #tpu.memory_space<hbm>>
    tpu.enqueue_dma source(%dma_start3A_28 : memref<114x88xi32, #tpu.memory_space<hbm>>) target(%arg8 : memref<114x88xi32, #tpu.memory_space<vmem>>) target_semaphore(%dma_start3A_24 : memref<!tpu.dma_semaphore, #tpu.memory_space<semaphore_mem>>)
    %dma_wait3A = arith.constant 0 : i32
    %dma_wait3A_29 = tpu.memref_slice %arg10[%dma_wait3A] : memref<2x!tpu.dma_semaphore, #tpu.memory_space<semaphore_mem>> -> memref<1x!tpu.dma_semaphore, #tpu.memory_space<semaphore_mem>>
    %dma_wait3A_30 = tpu.memref_squeeze %dma_wait3A_29 : memref<1x!tpu.dma_semaphore, #tpu.memory_space<semaphore_mem>> -> memref<!tpu.dma_semaphore, #tpu.memory_space<semaphore_mem>>
    %dma_wait3A_31 = arith.constant 0 : i32
    %dma_wait3A_32 = tpu.memref_slice %arg12[%mul3A_2, %dma_wait3A_31] : memref<10112x136xf32, #tpu.memory_space<vmem_shared>> -> memref<632x136xf32, #tpu.memory_space<vmem_shared>>
    tpu.wait_dma2 semaphore(%dma_wait3A_30 : memref<!tpu.dma_semaphore, #tpu.memory_space<semaphore_mem>>) src(%arg5 : memref<632x136xf32, #tpu.memory_space<hbm>>) dst(%dma_wait3A_32 : memref<632x136xf32, #tpu.memory_space<vmem_shared>>)
    %dma_wait3A_33 = arith.constant 1 : i32
    %dma_wait3A_34 = arith.constant 0 : i32
    %dma_wait3A_35 = arith.constant 0 : i32
    %dma_wait3A_36 = tpu.memref_slice %arg3[%add3A, %dma_wait3A_34, %dma_wait3A_35] : memref<32x114x88xi32, #tpu.memory_space<hbm>> -> memref<1x114x88xi32, #tpu.memory_space<hbm>>
    %dma_wait3A_37 = tpu.memref_squeeze %dma_wait3A_36 : memref<1x114x88xi32, #tpu.memory_space<hbm>> -> memref<114x88xi32, #tpu.memory_space<hbm>>
    %dma_wait3A_38 = tpu.memref_slice %arg10[%dma_wait3A_33] : memref<2x!tpu.dma_semaphore, #tpu.memory_space<semaphore_mem>> -> memref<1x!tpu.dma_semaphore, #tpu.memory_space<semaphore_mem>>
    %dma_wait3A_39 = tpu.memref_squeeze %dma_wait3A_38 : memref<1x!tpu.dma_semaphore, #tpu.memory_space<semaphore_mem>> -> memref<!tpu.dma_semaphore, #tpu.memory_space<semaphore_mem>>
    %dma_wait3A_40 = arith.constant 0 : i32
    %dma_wait3A_41 = arith.constant 0 : i32
    %dma_wait3A_42 = tpu.memref_slice %arg3[%add3A, %dma_wait3A_40, %dma_wait3A_41] : memref<32x114x88xi32, #tpu.memory_space<hbm>> -> memref<1x114x88xi32, #tpu.memory_space<hbm>>
    %dma_wait3A_43 = tpu.memref_squeeze %dma_wait3A_42 : memref<1x114x88xi32, #tpu.memory_space<hbm>> -> memref<114x88xi32, #tpu.memory_space<hbm>>
    tpu.wait_dma2 semaphore(%dma_wait3A_39 : memref<!tpu.dma_semaphore, #tpu.memory_space<semaphore_mem>>) src(%dma_wait3A_43 : memref<114x88xi32, #tpu.memory_space<hbm>>) dst(%arg7 : memref<114x88xi32, #tpu.memory_space<vmem>>)
    %dma_wait3A_44 = arith.constant 1 : i32
    %dma_wait3A_45 = arith.constant 0 : i32
    %dma_wait3A_46 = arith.constant 0 : i32
    %dma_wait3A_47 = tpu.memref_slice %arg4[%add3A, %dma_wait3A_45, %dma_wait3A_46] : memref<32x114x88xi32, #tpu.memory_space<hbm>> -> memref<1x114x88xi32, #tpu.memory_space<hbm>>
    %dma_wait3A_48 = tpu.memref_squeeze %dma_wait3A_47 : memref<1x114x88xi32, #tpu.memory_space<hbm>> -> memref<114x88xi32, #tpu.memory_space<hbm>>
    %dma_wait3A_49 = tpu.memref_slice %arg10[%dma_wait3A_44] : memref<2x!tpu.dma_semaphore, #tpu.memory_space<semaphore_mem>> -> memref<1x!tpu.dma_semaphore, #tpu.memory_space<semaphore_mem>>
    %dma_wait3A_50 = tpu.memref_squeeze %dma_wait3A_49 : memref<1x!tpu.dma_semaphore, #tpu.memory_space<semaphore_mem>> -> memref<!tpu.dma_semaphore, #tpu.memory_space<semaphore_mem>>
    %dma_wait3A_51 = arith.constant 0 : i32
    %dma_wait3A_52 = arith.constant 0 : i32
    %dma_wait3A_53 = tpu.memref_slice %arg4[%add3A, %dma_wait3A_51, %dma_wait3A_52] : memref<32x114x88xi32, #tpu.memory_space<hbm>> -> memref<1x114x88xi32, #tpu.memory_space<hbm>>
    %dma_wait3A_54 = tpu.memref_squeeze %dma_wait3A_53 : memref<1x114x88xi32, #tpu.memory_space<hbm>> -> memref<114x88xi32, #tpu.memory_space<hbm>>
    tpu.wait_dma2 semaphore(%dma_wait3A_50 : memref<!tpu.dma_semaphore, #tpu.memory_space<semaphore_mem>>) src(%dma_wait3A_54 : memref<114x88xi32, #tpu.memory_space<hbm>>) dst(%arg8 : memref<114x88xi32, #tpu.memory_space<vmem>>)
    %barrier3A = arith.constant 0 : index
    tpu.barrier barrier_id(%barrier3A)
    %dma_start3A_55 = arith.constant 0 : i32
    %dma_start3A_56 = arith.constant 0 : i32
    %dma_start3A_57 = arith.constant 0 : i32
    %dma_start3A_58 = arith.constant 0 : i32
    %dma_start3A_59 = arith.constant 0 : i32
    %dma_start3A_60 = tpu.memref_slice %arg9[%dma_start3A_56, %dma_start3A_58, %dma_start3A_59] : memref<2x88x136xf32, #tpu.memory_space<vmem>> -> memref<1x88x136xf32, #tpu.memory_space<vmem>>
    %dma_start3A_61 = tpu.memref_squeeze %dma_start3A_60 : memref<1x88x136xf32, #tpu.memory_space<vmem>> -> memref<88x136xf32, #tpu.memory_space<vmem>>
    %dma_start3A_62 = arith.constant 0 : i32
    %dma_start3A_63 = tpu.memref_slice %arg8[%dma_start3A_55, %dma_start3A_62] : memref<114x88xi32, #tpu.memory_space<vmem>> -> memref<1x88xi32, #tpu.memory_space<vmem>>
    %dma_start3A_64 = tpu.memref_squeeze %dma_start3A_63 : memref<1x88xi32, #tpu.memory_space<vmem>> -> memref<88xi32, #tpu.memory_space<vmem>>
    %dma_start3A_65 = arith.constant 0 : i32
    %dma_start3A_66 = arith.constant 0 : i32
    %dma_start3A_67 = tpu.memref_slice %arg2[%dma_start3A_65, %dma_start3A_66] : memref<10112x136xf32, #tpu.memory_space<hbm>> -> memref<10112x136xf32, #tpu.memory_space<hbm>>
    %dma_start3A_68 = tpu.memref_slice %arg10[%dma_start3A_57] : memref<2x!tpu.dma_semaphore, #tpu.memory_space<semaphore_mem>> -> memref<1x!tpu.dma_semaphore, #tpu.memory_space<semaphore_mem>>
    %dma_start3A_69 = tpu.memref_squeeze %dma_start3A_68 : memref<1x!tpu.dma_semaphore, #tpu.memory_space<semaphore_mem>> -> memref<!tpu.dma_semaphore, #tpu.memory_space<semaphore_mem>>
    tpu.enqueue_indirect_dma source(%dma_start3A_67 : memref<10112x136xf32, #tpu.memory_space<hbm>>) target(%dma_start3A_61 : memref<88x136xf32, #tpu.memory_space<vmem>>) offsets(%dma_start3A_64 : memref<88xi32, #tpu.memory_space<vmem>>) semaphore(%dma_start3A_69 : memref<!tpu.dma_semaphore, #tpu.memory_space<semaphore_mem>>)
    %scan3A = arith.constant 0 : i32
    %scan3A_70 = arith.constant 0 : i32
    %scan3A_71 = arith.constant 57 : i32
    %scan3A_72 = arith.addi %scan3A_70, %scan3A_71 : i32
    %scan3A_73 = arith.constant 1 : i32
    scf.for %scan3A_93 = %scan3A_70 to %scan3A_72 step %scan3A_73  : i32 {
      %mul3A_94 = arith.constant 2 : i32
      %mul3A_95 = arith.muli %mul3A_94, %scan3A_93 : i32
      %dma_wait3A_96 = arith.constant 0 : i32
      %dma_wait3A_97 = arith.constant 0 : i32
      %dma_wait3A_98 = arith.constant 0 : i32
      %dma_wait3A_99 = arith.constant 0 : i32
      %dma_wait3A_100 = tpu.memref_slice %arg9[%dma_wait3A_96, %dma_wait3A_98, %dma_wait3A_99] : memref<2x88x136xf32, #tpu.memory_space<vmem>> -> memref<1x88x136xf32, #tpu.memory_space<vmem>>
      %dma_wait3A_101 = tpu.memref_squeeze %dma_wait3A_100 : memref<1x88x136xf32, #tpu.memory_space<vmem>> -> memref<88x136xf32, #tpu.memory_space<vmem>>
      %dma_wait3A_102 = arith.constant 0 : i32
      %dma_wait3A_103 = tpu.memref_slice %arg8[%mul3A_95, %dma_wait3A_102] : memref<114x88xi32, #tpu.memory_space<vmem>> -> memref<1x88xi32, #tpu.memory_space<vmem>>
      %dma_wait3A_104 = tpu.memref_squeeze %dma_wait3A_103 : memref<1x88xi32, #tpu.memory_space<vmem>> -> memref<88xi32, #tpu.memory_space<vmem>>
      %dma_wait3A_105 = arith.constant 0 : i32
      %dma_wait3A_106 = arith.constant 0 : i32
      %dma_wait3A_107 = tpu.memref_slice %arg2[%dma_wait3A_105, %dma_wait3A_106] : memref<10112x136xf32, #tpu.memory_space<hbm>> -> memref<10112x136xf32, #tpu.memory_space<hbm>>
      %dma_wait3A_108 = tpu.memref_slice %arg10[%dma_wait3A_97] : memref<2x!tpu.dma_semaphore, #tpu.memory_space<semaphore_mem>> -> memref<1x!tpu.dma_semaphore, #tpu.memory_space<semaphore_mem>>
      %dma_wait3A_109 = tpu.memref_squeeze %dma_wait3A_108 : memref<1x!tpu.dma_semaphore, #tpu.memory_space<semaphore_mem>> -> memref<!tpu.dma_semaphore, #tpu.memory_space<semaphore_mem>>
      tpu.wait_indirect_dma semaphore(%dma_wait3A_109 : memref<!tpu.dma_semaphore, #tpu.memory_space<semaphore_mem>>) src(%dma_wait3A_107 : memref<10112x136xf32, #tpu.memory_space<hbm>>) dst(%dma_wait3A_101 : memref<88x136xf32, #tpu.memory_space<vmem>>)
      %dma_start3A_110 = arith.constant 0 : i32
      %dma_start3A_111 = arith.constant 0 : i32
      %dma_start3A_112 = arith.constant 0 : i32
      %dma_start3A_113 = arith.constant 0 : i32
      %dma_start3A_114 = tpu.memref_slice %arg9[%dma_start3A_110, %dma_start3A_112, %dma_start3A_113] : memref<2x88x136xf32, #tpu.memory_space<vmem>> -> memref<1x88x136xf32, #tpu.memory_space<vmem>>
      %dma_start3A_115 = tpu.memref_squeeze %dma_start3A_114 : memref<1x88x136xf32, #tpu.memory_space<vmem>> -> memref<88x136xf32, #tpu.memory_space<vmem>>
      %dma_start3A_116 = arith.constant 0 : i32
      %dma_start3A_117 = tpu.memref_slice %arg7[%mul3A_95, %dma_start3A_116] : memref<114x88xi32, #tpu.memory_space<vmem>> -> memref<1x88xi32, #tpu.memory_space<vmem>>
      %dma_start3A_118 = tpu.memref_squeeze %dma_start3A_117 : memref<1x88xi32, #tpu.memory_space<vmem>> -> memref<88xi32, #tpu.memory_space<vmem>>
      %dma_start3A_119 = arith.constant 0 : i32
      %dma_start3A_120 = arith.constant 0 : i32
      %dma_start3A_121 = tpu.memref_slice %arg12[%dma_start3A_119, %dma_start3A_120] : memref<10112x136xf32, #tpu.memory_space<vmem_shared>> -> memref<10112x136xf32, #tpu.memory_space<vmem_shared>>
      %dma_start3A_122 = tpu.memref_slice %arg11[%dma_start3A_111] : memref<2x!tpu.dma_semaphore, #tpu.memory_space<semaphore_mem>> -> memref<1x!tpu.dma_semaphore, #tpu.memory_space<semaphore_mem>>
      %dma_start3A_123 = tpu.memref_squeeze %dma_start3A_122 : memref<1x!tpu.dma_semaphore, #tpu.memory_space<semaphore_mem>> -> memref<!tpu.dma_semaphore, #tpu.memory_space<semaphore_mem>>
      tpu.enqueue_indirect_dma source(%dma_start3A_115 : memref<88x136xf32, #tpu.memory_space<vmem>>) target(%dma_start3A_121 : memref<10112x136xf32, #tpu.memory_space<vmem_shared>>) offsets(%dma_start3A_118 : memref<88xi32, #tpu.memory_space<vmem>>) semaphore(%dma_start3A_123 : memref<!tpu.dma_semaphore, #tpu.memory_space<semaphore_mem>>) {add = true}
      %gt3A = arith.constant 0 : i32
      %gt3A_124 = arith.cmpi sgt, %mul3A_95, %gt3A : i32
      %convert_element_type3A = arith.extui %gt3A_124 : i1 to i32
      %cond3A = arith.constant 0 : i32
      %cond3A_125 = arith.cmpi ne, %convert_element_type3A, %cond3A : i32
      scf.if %cond3A_125 {
        %sub3A = arith.constant 1 : i32
        %sub3A_194 = arith.subi %mul3A_95, %sub3A : i32
        %dma_wait3A_195 = arith.constant 1 : i32
        %dma_wait3A_196 = arith.constant 1 : i32
        %dma_wait3A_197 = arith.constant 0 : i32
        %dma_wait3A_198 = arith.constant 0 : i32
        %dma_wait3A_199 = tpu.memref_slice %arg9[%dma_wait3A_195, %dma_wait3A_197, %dma_wait3A_198] : memref<2x88x136xf32, #tpu.memory_space<vmem>> -> memref<1x88x136xf32, #tpu.memory_space<vmem>>
        %dma_wait3A_200 = tpu.memref_squeeze %dma_wait3A_199 : memref<1x88x136xf32, #tpu.memory_space<vmem>> -> memref<88x136xf32, #tpu.memory_space<vmem>>
        %dma_wait3A_201 = arith.constant 0 : i32
        %dma_wait3A_202 = tpu.memref_slice %arg7[%sub3A_194, %dma_wait3A_201] : memref<114x88xi32, #tpu.memory_space<vmem>> -> memref<1x88xi32, #tpu.memory_space<vmem>>
        %dma_wait3A_203 = tpu.memref_squeeze %dma_wait3A_202 : memref<1x88xi32, #tpu.memory_space<vmem>> -> memref<88xi32, #tpu.memory_space<vmem>>
        %dma_wait3A_204 = arith.constant 0 : i32
        %dma_wait3A_205 = arith.constant 0 : i32
        %dma_wait3A_206 = tpu.memref_slice %arg12[%dma_wait3A_204, %dma_wait3A_205] : memref<10112x136xf32, #tpu.memory_space<vmem_shared>> -> memref<10112x136xf32, #tpu.memory_space<vmem_shared>>
        %dma_wait3A_207 = tpu.memref_slice %arg11[%dma_wait3A_196] : memref<2x!tpu.dma_semaphore, #tpu.memory_space<semaphore_mem>> -> memref<1x!tpu.dma_semaphore, #tpu.memory_space<semaphore_mem>>
        %dma_wait3A_208 = tpu.memref_squeeze %dma_wait3A_207 : memref<1x!tpu.dma_semaphore, #tpu.memory_space<semaphore_mem>> -> memref<!tpu.dma_semaphore, #tpu.memory_space<semaphore_mem>>
        tpu.wait_indirect_dma semaphore(%dma_wait3A_208 : memref<!tpu.dma_semaphore, #tpu.memory_space<semaphore_mem>>) src(%dma_wait3A_200 : memref<88x136xf32, #tpu.memory_space<vmem>>) dst(%dma_wait3A_206 : memref<10112x136xf32, #tpu.memory_space<vmem_shared>>)
      } else {
      }
      %add3A_126 = arith.constant 1 : i32
      %add3A_127 = arith.addi %mul3A_95, %add3A_126 : i32
      %dma_start3A_128 = arith.constant 1 : i32
      %dma_start3A_129 = arith.constant 1 : i32
      %dma_start3A_130 = arith.constant 0 : i32
      %dma_start3A_131 = arith.constant 0 : i32
      %dma_start3A_132 = tpu.memref_slice %arg9[%dma_start3A_128, %dma_start3A_130, %dma_start3A_131] : memref<2x88x136xf32, #tpu.memory_space<vmem>> -> memref<1x88x136xf32, #tpu.memory_space<vmem>>
      %dma_start3A_133 = tpu.memref_squeeze %dma_start3A_132 : memref<1x88x136xf32, #tpu.memory_space<vmem>> -> memref<88x136xf32, #tpu.memory_space<vmem>>
      %dma_start3A_134 = arith.constant 0 : i32
      %dma_start3A_135 = tpu.memref_slice %arg8[%add3A_127, %dma_start3A_134] : memref<114x88xi32, #tpu.memory_space<vmem>> -> memref<1x88xi32, #tpu.memory_space<vmem>>
      %dma_start3A_136 = tpu.memref_squeeze %dma_start3A_135 : memref<1x88xi32, #tpu.memory_space<vmem>> -> memref<88xi32, #tpu.memory_space<vmem>>
      %dma_start3A_137 = arith.constant 0 : i32
      %dma_start3A_138 = arith.constant 0 : i32
      %dma_start3A_139 = tpu.memref_slice %arg2[%dma_start3A_137, %dma_start3A_138] : memref<10112x136xf32, #tpu.memory_space<hbm>> -> memref<10112x136xf32, #tpu.memory_space<hbm>>
      %dma_start3A_140 = tpu.memref_slice %arg10[%dma_start3A_129] : memref<2x!tpu.dma_semaphore, #tpu.memory_space<semaphore_mem>> -> memref<1x!tpu.dma_semaphore, #tpu.memory_space<semaphore_mem>>
      %dma_start3A_141 = tpu.memref_squeeze %dma_start3A_140 : memref<1x!tpu.dma_semaphore, #tpu.memory_space<semaphore_mem>> -> memref<!tpu.dma_semaphore, #tpu.memory_space<semaphore_mem>>
      tpu.enqueue_indirect_dma source(%dma_start3A_139 : memref<10112x136xf32, #tpu.memory_space<hbm>>) target(%dma_start3A_133 : memref<88x136xf32, #tpu.memory_space<vmem>>) offsets(%dma_start3A_136 : memref<88xi32, #tpu.memory_space<vmem>>) semaphore(%dma_start3A_141 : memref<!tpu.dma_semaphore, #tpu.memory_space<semaphore_mem>>)
      %add3A_142 = arith.constant 1 : i32
      %add3A_143 = arith.addi %mul3A_95, %add3A_142 : i32
      %dma_wait3A_144 = arith.constant 1 : i32
      %dma_wait3A_145 = arith.constant 1 : i32
      %dma_wait3A_146 = arith.constant 0 : i32
      %dma_wait3A_147 = arith.constant 0 : i32
      %dma_wait3A_148 = tpu.memref_slice %arg9[%dma_wait3A_144, %dma_wait3A_146, %dma_wait3A_147] : memref<2x88x136xf32, #tpu.memory_space<vmem>> -> memref<1x88x136xf32, #tpu.memory_space<vmem>>
      %dma_wait3A_149 = tpu.memref_squeeze %dma_wait3A_148 : memref<1x88x136xf32, #tpu.memory_space<vmem>> -> memref<88x136xf32, #tpu.memory_space<vmem>>
      %dma_wait3A_150 = arith.constant 0 : i32
      %dma_wait3A_151 = tpu.memref_slice %arg8[%add3A_143, %dma_wait3A_150] : memref<114x88xi32, #tpu.memory_space<vmem>> -> memref<1x88xi32, #tpu.memory_space<vmem>>
      %dma_wait3A_152 = tpu.memref_squeeze %dma_wait3A_151 : memref<1x88xi32, #tpu.memory_space<vmem>> -> memref<88xi32, #tpu.memory_space<vmem>>
      %dma_wait3A_153 = arith.constant 0 : i32
      %dma_wait3A_154 = arith.constant 0 : i32
      %dma_wait3A_155 = tpu.memref_slice %arg2[%dma_wait3A_153, %dma_wait3A_154] : memref<10112x136xf32, #tpu.memory_space<hbm>> -> memref<10112x136xf32, #tpu.memory_space<hbm>>
      %dma_wait3A_156 = tpu.memref_slice %arg10[%dma_wait3A_145] : memref<2x!tpu.dma_semaphore, #tpu.memory_space<semaphore_mem>> -> memref<1x!tpu.dma_semaphore, #tpu.memory_space<semaphore_mem>>
      %dma_wait3A_157 = tpu.memref_squeeze %dma_wait3A_156 : memref<1x!tpu.dma_semaphore, #tpu.memory_space<semaphore_mem>> -> memref<!tpu.dma_semaphore, #tpu.memory_space<semaphore_mem>>
      tpu.wait_indirect_dma semaphore(%dma_wait3A_157 : memref<!tpu.dma_semaphore, #tpu.memory_space<semaphore_mem>>) src(%dma_wait3A_155 : memref<10112x136xf32, #tpu.memory_space<hbm>>) dst(%dma_wait3A_149 : memref<88x136xf32, #tpu.memory_space<vmem>>)
      %add3A_158 = arith.constant 1 : i32
      %add3A_159 = arith.addi %mul3A_95, %add3A_158 : i32
      %dma_start3A_160 = arith.constant 1 : i32
      %dma_start3A_161 = arith.constant 1 : i32
      %dma_start3A_162 = arith.constant 0 : i32
      %dma_start3A_163 = arith.constant 0 : i32
      %dma_start3A_164 = tpu.memref_slice %arg9[%dma_start3A_160, %dma_start3A_162, %dma_start3A_163] : memref<2x88x136xf32, #tpu.memory_space<vmem>> -> memref<1x88x136xf32, #tpu.memory_space<vmem>>
      %dma_start3A_165 = tpu.memref_squeeze %dma_start3A_164 : memref<1x88x136xf32, #tpu.memory_space<vmem>> -> memref<88x136xf32, #tpu.memory_space<vmem>>
      %dma_start3A_166 = arith.constant 0 : i32
      %dma_start3A_167 = tpu.memref_slice %arg7[%add3A_159, %dma_start3A_166] : memref<114x88xi32, #tpu.memory_space<vmem>> -> memref<1x88xi32, #tpu.memory_space<vmem>>
      %dma_start3A_168 = tpu.memref_squeeze %dma_start3A_167 : memref<1x88xi32, #tpu.memory_space<vmem>> -> memref<88xi32, #tpu.memory_space<vmem>>
      %dma_start3A_169 = arith.constant 0 : i32
      %dma_start3A_170 = arith.constant 0 : i32
      %dma_start3A_171 = tpu.memref_slice %arg12[%dma_start3A_169, %dma_start3A_170] : memref<10112x136xf32, #tpu.memory_space<vmem_shared>> -> memref<10112x136xf32, #tpu.memory_space<vmem_shared>>
      %dma_start3A_172 = tpu.memref_slice %arg11[%dma_start3A_161] : memref<2x!tpu.dma_semaphore, #tpu.memory_space<semaphore_mem>> -> memref<1x!tpu.dma_semaphore, #tpu.memory_space<semaphore_mem>>
      %dma_start3A_173 = tpu.memref_squeeze %dma_start3A_172 : memref<1x!tpu.dma_semaphore, #tpu.memory_space<semaphore_mem>> -> memref<!tpu.dma_semaphore, #tpu.memory_space<semaphore_mem>>
      tpu.enqueue_indirect_dma source(%dma_start3A_165 : memref<88x136xf32, #tpu.memory_space<vmem>>) target(%dma_start3A_171 : memref<10112x136xf32, #tpu.memory_space<vmem_shared>>) offsets(%dma_start3A_168 : memref<88xi32, #tpu.memory_space<vmem>>) semaphore(%dma_start3A_173 : memref<!tpu.dma_semaphore, #tpu.memory_space<semaphore_mem>>) {add = true}
      %dma_wait3A_174 = arith.constant 0 : i32
      %dma_wait3A_175 = arith.constant 0 : i32
      %dma_wait3A_176 = arith.constant 0 : i32
      %dma_wait3A_177 = arith.constant 0 : i32
      %dma_wait3A_178 = tpu.memref_slice %arg9[%dma_wait3A_174, %dma_wait3A_176, %dma_wait3A_177] : memref<2x88x136xf32, #tpu.memory_space<vmem>> -> memref<1x88x136xf32, #tpu.memory_space<vmem>>
      %dma_wait3A_179 = tpu.memref_squeeze %dma_wait3A_178 : memref<1x88x136xf32, #tpu.memory_space<vmem>> -> memref<88x136xf32, #tpu.memory_space<vmem>>
      %dma_wait3A_180 = arith.constant 0 : i32
      %dma_wait3A_181 = tpu.memref_slice %arg7[%mul3A_95, %dma_wait3A_180] : memref<114x88xi32, #tpu.memory_space<vmem>> -> memref<1x88xi32, #tpu.memory_space<vmem>>
      %dma_wait3A_182 = tpu.memref_squeeze %dma_wait3A_181 : memref<1x88xi32, #tpu.memory_space<vmem>> -> memref<88xi32, #tpu.memory_space<vmem>>
      %dma_wait3A_183 = arith.constant 0 : i32
      %dma_wait3A_184 = arith.constant 0 : i32
      %dma_wait3A_185 = tpu.memref_slice %arg12[%dma_wait3A_183, %dma_wait3A_184] : memref<10112x136xf32, #tpu.memory_space<vmem_shared>> -> memref<10112x136xf32, #tpu.memory_space<vmem_shared>>
      %dma_wait3A_186 = tpu.memref_slice %arg11[%dma_wait3A_175] : memref<2x!tpu.dma_semaphore, #tpu.memory_space<semaphore_mem>> -> memref<1x!tpu.dma_semaphore, #tpu.memory_space<semaphore_mem>>
      %dma_wait3A_187 = tpu.memref_squeeze %dma_wait3A_186 : memref<1x!tpu.dma_semaphore, #tpu.memory_space<semaphore_mem>> -> memref<!tpu.dma_semaphore, #tpu.memory_space<semaphore_mem>>
      tpu.wait_indirect_dma semaphore(%dma_wait3A_187 : memref<!tpu.dma_semaphore, #tpu.memory_space<semaphore_mem>>) src(%dma_wait3A_179 : memref<88x136xf32, #tpu.memory_space<vmem>>) dst(%dma_wait3A_185 : memref<10112x136xf32, #tpu.memory_space<vmem_shared>>)
      %add3A_188 = arith.constant 2 : i32
      %add3A_189 = arith.addi %mul3A_95, %add3A_188 : i32
      %lt3A = arith.constant 114 : i32
      %lt3A_190 = arith.cmpi slt, %add3A_189, %lt3A : i32
      %convert_element_type3A_191 = arith.extui %lt3A_190 : i1 to i32
      %cond3A_192 = arith.constant 0 : i32
      %cond3A_193 = arith.cmpi ne, %convert_element_type3A_191, %cond3A_192 : i32
      scf.if %cond3A_193 {
        %add3A_194 = arith.constant 2 : i32
        %add3A_195 = arith.addi %mul3A_95, %add3A_194 : i32
        %dma_start3A_196 = arith.constant 0 : i32
        %dma_start3A_197 = arith.constant 0 : i32
        %dma_start3A_198 = arith.constant 0 : i32
        %dma_start3A_199 = arith.constant 0 : i32
        %dma_start3A_200 = tpu.memref_slice %arg9[%dma_start3A_196, %dma_start3A_198, %dma_start3A_199] : memref<2x88x136xf32, #tpu.memory_space<vmem>> -> memref<1x88x136xf32, #tpu.memory_space<vmem>>
        %dma_start3A_201 = tpu.memref_squeeze %dma_start3A_200 : memref<1x88x136xf32, #tpu.memory_space<vmem>> -> memref<88x136xf32, #tpu.memory_space<vmem>>
        %dma_start3A_202 = arith.constant 0 : i32
        %dma_start3A_203 = tpu.memref_slice %arg8[%add3A_195, %dma_start3A_202] : memref<114x88xi32, #tpu.memory_space<vmem>> -> memref<1x88xi32, #tpu.memory_space<vmem>>
        %dma_start3A_204 = tpu.memref_squeeze %dma_start3A_203 : memref<1x88xi32, #tpu.memory_space<vmem>> -> memref<88xi32, #tpu.memory_space<vmem>>
        %dma_start3A_205 = arith.constant 0 : i32
        %dma_start3A_206 = arith.constant 0 : i32
        %dma_start3A_207 = tpu.memref_slice %arg2[%dma_start3A_205, %dma_start3A_206] : memref<10112x136xf32, #tpu.memory_space<hbm>> -> memref<10112x136xf32, #tpu.memory_space<hbm>>
        %dma_start3A_208 = tpu.memref_slice %arg10[%dma_start3A_197] : memref<2x!tpu.dma_semaphore, #tpu.memory_space<semaphore_mem>> -> memref<1x!tpu.dma_semaphore, #tpu.memory_space<semaphore_mem>>
        %dma_start3A_209 = tpu.memref_squeeze %dma_start3A_208 : memref<1x!tpu.dma_semaphore, #tpu.memory_space<semaphore_mem>> -> memref<!tpu.dma_semaphore, #tpu.memory_space<semaphore_mem>>
        tpu.enqueue_indirect_dma source(%dma_start3A_207 : memref<10112x136xf32, #tpu.memory_space<hbm>>) target(%dma_start3A_201 : memref<88x136xf32, #tpu.memory_space<vmem>>) offsets(%dma_start3A_204 : memref<88xi32, #tpu.memory_space<vmem>>) semaphore(%dma_start3A_209 : memref<!tpu.dma_semaphore, #tpu.memory_space<semaphore_mem>>)
      } else {
      }
    }
    %scan3A_74 = arith.constant 57 : i32
    %dma_wait3A_75 = arith.constant 1 : i32
    %dma_wait3A_76 = arith.constant 113 : i32
    %dma_wait3A_77 = arith.constant 1 : i32
    %dma_wait3A_78 = arith.constant 0 : i32
    %dma_wait3A_79 = arith.constant 0 : i32
    %dma_wait3A_80 = tpu.memref_slice %arg9[%dma_wait3A_75, %dma_wait3A_78, %dma_wait3A_79] : memref<2x88x136xf32, #tpu.memory_space<vmem>> -> memref<1x88x136xf32, #tpu.memory_space<vmem>>
    %dma_wait3A_81 = tpu.memref_squeeze %dma_wait3A_80 : memref<1x88x136xf32, #tpu.memory_space<vmem>> -> memref<88x136xf32, #tpu.memory_space<vmem>>
    %dma_wait3A_82 = arith.constant 0 : i32
    %dma_wait3A_83 = tpu.memref_slice %arg7[%dma_wait3A_76, %dma_wait3A_82] : memref<114x88xi32, #tpu.memory_space<vmem>> -> memref<1x88xi32, #tpu.memory_space<vmem>>
    %dma_wait3A_84 = tpu.memref_squeeze %dma_wait3A_83 : memref<1x88xi32, #tpu.memory_space<vmem>> -> memref<88xi32, #tpu.memory_space<vmem>>
    %dma_wait3A_85 = arith.constant 0 : i32
    %dma_wait3A_86 = arith.constant 0 : i32
    %dma_wait3A_87 = tpu.memref_slice %arg12[%dma_wait3A_85, %dma_wait3A_86] : memref<10112x136xf32, #tpu.memory_space<vmem_shared>> -> memref<10112x136xf32, #tpu.memory_space<vmem_shared>>
    %dma_wait3A_88 = tpu.memref_slice %arg11[%dma_wait3A_77] : memref<2x!tpu.dma_semaphore, #tpu.memory_space<semaphore_mem>> -> memref<1x!tpu.dma_semaphore, #tpu.memory_space<semaphore_mem>>
    %dma_wait3A_89 = tpu.memref_squeeze %dma_wait3A_88 : memref<1x!tpu.dma_semaphore, #tpu.memory_space<semaphore_mem>> -> memref<!tpu.dma_semaphore, #tpu.memory_space<semaphore_mem>>
    tpu.wait_indirect_dma semaphore(%dma_wait3A_89 : memref<!tpu.dma_semaphore, #tpu.memory_space<semaphore_mem>>) src(%dma_wait3A_81 : memref<88x136xf32, #tpu.memory_space<vmem>>) dst(%dma_wait3A_87 : memref<10112x136xf32, #tpu.memory_space<vmem_shared>>)
    %barrier3A_90 = arith.constant 0 : index
    tpu.barrier barrier_id(%barrier3A_90)
    %mul3A_91 = arith.constant 632 : i32
    %mul3A_92 = arith.muli %arg1, %mul3A_91 : i32
    "tpu.region"() ({
      %run_scoped3A = tpu.sem_alloc : memref<!tpu.dma_semaphore, #tpu.memory_space<semaphore_mem>>
      %dma_start3A_93 = arith.constant 0 : i32
      %dma_start3A_94 = arith.constant 0 : i32
      %dma_start3A_95 = tpu.memref_slice %arg6[%arg0, %dma_start3A_93, %dma_start3A_94] : memref<2x10112x136xf32, #tpu.memory_space<hbm>> -> memref<1x10112x136xf32, #tpu.memory_space<hbm>>
      %dma_start3A_96 = tpu.memref_squeeze %dma_start3A_95 : memref<1x10112x136xf32, #tpu.memory_space<hbm>> -> memref<10112x136xf32, #tpu.memory_space<hbm>>
      %dma_start3A_97 = arith.constant 0 : i32
      %dma_start3A_98 = tpu.memref_slice %dma_start3A_96[%mul3A_92, %dma_start3A_97] : memref<10112x136xf32, #tpu.memory_space<hbm>> -> memref<632x136xf32, #tpu.memory_space<hbm>>
      %dma_start3A_99 = arith.constant 0 : i32
      %dma_start3A_100 = tpu.memref_slice %arg12[%mul3A_92, %dma_start3A_99] : memref<10112x136xf32, #tpu.memory_space<vmem_shared>> -> memref<632x136xf32, #tpu.memory_space<vmem_shared>>
      tpu.enqueue_dma source(%dma_start3A_100 : memref<632x136xf32, #tpu.memory_space<vmem_shared>>) target(%dma_start3A_98 : memref<632x136xf32, #tpu.memory_space<hbm>>) target_semaphore(%run_scoped3A : memref<!tpu.dma_semaphore, #tpu.memory_space<semaphore_mem>>)
      %dma_wait3A_101 = arith.constant 0 : i32
      %dma_wait3A_102 = arith.constant 0 : i32
      %dma_wait3A_103 = tpu.memref_slice %arg6[%arg0, %dma_wait3A_101, %dma_wait3A_102] : memref<2x10112x136xf32, #tpu.memory_space<hbm>> -> memref<1x10112x136xf32, #tpu.memory_space<hbm>>
      %dma_wait3A_104 = tpu.memref_squeeze %dma_wait3A_103 : memref<1x10112x136xf32, #tpu.memory_space<hbm>> -> memref<10112x136xf32, #tpu.memory_space<hbm>>
      %dma_wait3A_105 = arith.constant 0 : i32
      %dma_wait3A_106 = tpu.memref_slice %dma_wait3A_104[%mul3A_92, %dma_wait3A_105] : memref<10112x136xf32, #tpu.memory_space<hbm>> -> memref<632x136xf32, #tpu.memory_space<hbm>>
      %dma_wait3A_107 = arith.constant 0 : i32
      %dma_wait3A_108 = tpu.memref_slice %arg12[%mul3A_92, %dma_wait3A_107] : memref<10112x136xf32, #tpu.memory_space<vmem_shared>> -> memref<632x136xf32, #tpu.memory_space<vmem_shared>>
      tpu.wait_dma2 semaphore(%run_scoped3A : memref<!tpu.dma_semaphore, #tpu.memory_space<semaphore_mem>>) src(%dma_wait3A_108 : memref<632x136xf32, #tpu.memory_space<vmem_shared>>) dst(%dma_wait3A_106 : memref<632x136xf32, #tpu.memory_space<hbm>>)
      tpu.yield
    }) : () -> ()
    return
  }
}

module attributes {stable_mosaic.version = 14 : i64} {
  func.func @zk(%arg0: i32, %arg1: memref<128x128xf32, #tpu.memory_space<vmem>>, %arg2: memref<128x1xf32, #tpu.memory_space<vmem>>, %arg3: memref<128x1xf32, #tpu.memory_space<vmem>>, %arg4: memref<128x1xf32, #tpu.memory_space<vmem>>, %arg5: memref<128x136xf32, #tpu.memory_space<vmem>>) attributes {dimension_semantics = [#tpu.dimension_semantics<arbitrary>], iteration_bounds = array<i64: 79>, scalar_prefetch = 0 : i64, scratch_operands = 0 : i64, tpu.core_type = #tpu.core_type<tc>, window_params = [{transform_indices = @transform_0, window_bounds = array<i64: 128, 128>}, {transform_indices = @transform_1, window_bounds = array<i64: 128, 1>}, {transform_indices = @transform_2, window_bounds = array<i64: 128, 1>}, {transform_indices = @transform_3, window_bounds = array<i64: 128, 1>}, {transform_indices = @transform_4, window_bounds = array<i64: 128, 136>}]} {
    %get3A = arith.constant 0 : index
    %get3A_0 = arith.constant 0 : index
    %get3A_1 = vector.load %arg3[%get3A, %get3A_0] : memref<128x1xf32, #tpu.memory_space<vmem>>, vector<128x1xf32>
    %get3A_2 = arith.constant 0 : index
    %get3A_3 = arith.constant 0 : index
    %get3A_4 = vector.load %arg4[%get3A_2, %get3A_3] : memref<128x1xf32, #tpu.memory_space<vmem>>, vector<128x1xf32>
    %add3A = arith.addf %get3A_1, %get3A_4 : vector<128x1xf32>
    %gt3A = arith.constant 0.000000e+00 : f32
    %gt3A_5 = vector.broadcast %gt3A : f32 to vector<128x1xf32>
    %gt3A_6 = arith.cmpf ogt, %add3A, %gt3A_5 : vector<128x1xf32>
    %max3A = arith.constant 1.000000e+00 : f32
    %max3A_7 = vector.broadcast %max3A : f32 to vector<128x1xf32>
    %max3A_8 = arith.maximumf %add3A, %max3A_7 : vector<128x1xf32>
    %rsqrt3A = math.rsqrt %max3A_8 : vector<128x1xf32>
    %jit3A = arith.constant 0.000000e+00 : f32
    %broadcast_in_dim3A = vector.broadcast %jit3A : f32 to vector<128x1xf32>
    %select_n3A = arith.select %gt3A_6, %rsqrt3A, %broadcast_in_dim3A : vector<128x1xi1>, vector<128x1xf32>
    %get3A_9 = arith.constant 0 : index
    %get3A_10 = arith.constant 0 : index
    %get3A_11 = vector.load %arg2[%get3A_9, %get3A_10] : memref<128x1xf32, #tpu.memory_space<vmem>>, vector<128x1xf32>
    %mul3A = arith.mulf %select_n3A, %get3A_11 : vector<128x1xf32>
    %get3A_12 = arith.constant 0 : index
    %get3A_13 = arith.constant 0 : index
    %get3A_14 = vector.load %arg1[%get3A_12, %get3A_13] : memref<128x128xf32, #tpu.memory_space<vmem>>, vector<128x128xf32>
    %ne3A = arith.cmpf one, %get3A_14, %get3A_14 : vector<128x128xf32>
    %jit3A_15 = arith.constant 0.000000e+00 : f32
    %broadcast_in_dim3A_16 = vector.broadcast %jit3A_15 : f32 to vector<128x128xf32>
    %select_n3A_17 = arith.select %ne3A, %broadcast_in_dim3A_16, %get3A_14 : vector<128x128xi1>, vector<128x128xf32>
    %mul3A_18 = vector.broadcast %mul3A : vector<128x1xf32> to vector<128x128xf32>
    %mul3A_19 = arith.mulf %select_n3A_17, %mul3A_18 : vector<128x128xf32>
    %broadcast_in_dim3A_20 = arith.constant 0.000000e+00 : f32
    %broadcast_in_dim3A_21 = vector.broadcast %broadcast_in_dim3A_20 : f32 to vector<128x6xf32>
    %concatenate3A = tpu.concatenate %mul3A_19, %select_n3A, %mul3A, %broadcast_in_dim3A_21 in 1 : vector<128x128xf32>, vector<128x1xf32>, vector<128x1xf32>, vector<128x6xf32> -> vector<128x136xf32>
    %swap3A = arith.constant 0 : index
    %swap3A_22 = arith.constant 0 : index
    %swap3A_23 = vector.load %arg5[%swap3A, %swap3A_22] : memref<128x136xf32, #tpu.memory_space<vmem>>, vector<128x136xf32>
    tpu.vector_store %arg5[%swap3A, %swap3A_22], %concatenate3A {strides = array<i32>} : memref<128x136xf32, #tpu.memory_space<vmem>>, vector<128x136xf32>,
    return
  }
  func.func @transform_0(%arg0: i32) -> (i32, i32) {
    %c0_i32 = arith.constant 0 : i32
    %c0_i32_0 = arith.constant 0 : i32
    return %arg0, %c0_i32 : i32, i32
  }
  func.func @transform_1(%arg0: i32) -> (i32, i32) {
    %c0_i32 = arith.constant 0 : i32
    %c0_i32_0 = arith.constant 0 : i32
    return %arg0, %c0_i32 : i32, i32
  }
  func.func @transform_2(%arg0: i32) -> (i32, i32) {
    %c0_i32 = arith.constant 0 : i32
    %c0_i32_0 = arith.constant 0 : i32
    return %arg0, %c0_i32 : i32, i32
  }
  func.func @transform_3(%arg0: i32) -> (i32, i32) {
    %c0_i32 = arith.constant 0 : i32
    %c0_i32_0 = arith.constant 0 : i32
    return %arg0, %c0_i32 : i32, i32
  }
  func.func @transform_4(%arg0: i32) -> (i32, i32) {
    %c0_i32 = arith.constant 0 : i32
    %c0_i32_0 = arith.constant 0 : i32
    return %arg0, %c0_i32 : i32, i32
  }
}

module attributes {stable_mosaic.version = 14 : i64} {
  func.func @fk(%arg0: i32, %arg1: memref<2x128x136xf32, #tpu.memory_space<vmem>>, %arg2: memref<128x1xf32, #tpu.memory_space<vmem>>, %arg3: memref<128x1xf32, #tpu.memory_space<vmem>>, %arg4: memref<128x128xf32, #tpu.memory_space<vmem>>, %arg5: memref<1x128xf32, #tpu.memory_space<vmem>>, %arg6: memref<128x128xf32, #tpu.memory_space<vmem>>) attributes {dimension_semantics = [#tpu.dimension_semantics<arbitrary>], iteration_bounds = array<i64: 79>, scalar_prefetch = 0 : i64, scratch_operands = 0 : i64, tpu.core_type = #tpu.core_type<tc>, window_params = [{transform_indices = @transform_0, window_bounds = array<i64: 2, 128, 136>}, {transform_indices = @transform_1, window_bounds = array<i64: 128, 1>}, {transform_indices = @transform_2, window_bounds = array<i64: 128, 1>}, {pipeline_mode = #tpu.pipeline_mode<synchronous>, transform_indices = @transform_3, window_bounds = array<i64: 128, 128>}, {pipeline_mode = #tpu.pipeline_mode<synchronous>, transform_indices = @transform_4, window_bounds = array<i64: 1, 128>}, {transform_indices = @transform_5, window_bounds = array<i64: 128, 128>}]} {
    %get3A = arith.constant 0 : index
    %get3A_0 = arith.constant 0 : index
    %get3A_1 = arith.constant 0 : index
    %get3A_2 = vector.load %arg1[%get3A, %get3A_0, %get3A_1] : memref<2x128x136xf32, #tpu.memory_space<vmem>>, vector<1x128x136xf32>
    %get3A_3 = vector.shape_cast %get3A_2 : vector<1x128x136xf32> to vector<128x136xf32>
    %get3A_4 = arith.constant 1 : index
    %get3A_5 = arith.constant 0 : index
    %get3A_6 = arith.constant 0 : index
    %get3A_7 = vector.load %arg1[%get3A_4, %get3A_5, %get3A_6] : memref<2x128x136xf32, #tpu.memory_space<vmem>>, vector<1x128x136xf32>
    %get3A_8 = vector.shape_cast %get3A_7 : vector<1x128x136xf32> to vector<128x136xf32>
    %slice3A = vector.extract_strided_slice %get3A_3 {offsets = [0, 0], sizes = [128, 128], strides = [1, 1]} : vector<128x136xf32> to vector<128x128xf32>
    %slice3A_9 = vector.extract_strided_slice %get3A_8 {offsets = [0, 0], sizes = [128, 128], strides = [1, 1]} : vector<128x136xf32> to vector<128x128xf32>
    %add3A = arith.addf %slice3A, %slice3A_9 : vector<128x128xf32>
    %slice3A_10 = vector.extract_strided_slice %get3A_3 {offsets = [0, 128], sizes = [128, 1], strides = [1, 1]} : vector<128x136xf32> to vector<128x1xf32>
    %slice3A_11 = vector.extract_strided_slice %get3A_8 {offsets = [0, 128], sizes = [128, 1], strides = [1, 1]} : vector<128x136xf32> to vector<128x1xf32>
    %add3A_12 = arith.addf %slice3A_10, %slice3A_11 : vector<128x1xf32>
    %slice3A_13 = vector.extract_strided_slice %get3A_3 {offsets = [0, 129], sizes = [128, 1], strides = [1, 1]} : vector<128x136xf32> to vector<128x1xf32>
    %slice3A_14 = vector.extract_strided_slice %get3A_8 {offsets = [0, 129], sizes = [128, 1], strides = [1, 1]} : vector<128x136xf32> to vector<128x1xf32>
    %add3A_15 = arith.addf %slice3A_13, %slice3A_14 : vector<128x1xf32>
    %get3A_16 = arith.constant 0 : index
    %get3A_17 = arith.constant 0 : index
    %get3A_18 = vector.load %arg2[%get3A_16, %get3A_17] : memref<128x1xf32, #tpu.memory_space<vmem>>, vector<128x1xf32>
    %get3A_19 = arith.constant 0 : index
    %get3A_20 = arith.constant 0 : index
    %get3A_21 = vector.load %arg3[%get3A_19, %get3A_20] : memref<128x1xf32, #tpu.memory_space<vmem>>, vector<128x1xf32>
    %add3A_22 = arith.addf %get3A_18, %get3A_21 : vector<128x1xf32>
    %gt3A = arith.constant 0.000000e+00 : f32
    %gt3A_23 = vector.broadcast %gt3A : f32 to vector<128x1xf32>
    %gt3A_24 = arith.cmpf ogt, %add3A_22, %gt3A_23 : vector<128x1xf32>
    %max3A = arith.constant 1.000000e+00 : f32
    %max3A_25 = vector.broadcast %max3A : f32 to vector<128x1xf32>
    %max3A_26 = arith.maximumf %add3A_22, %max3A_25 : vector<128x1xf32>
    %rsqrt3A = math.rsqrt %max3A_26 : vector<128x1xf32>
    %jit3A = arith.constant 0.000000e+00 : f32
    %broadcast_in_dim3A = vector.broadcast %jit3A : f32 to vector<128x1xf32>
    %select_n3A = arith.select %gt3A_24, %rsqrt3A, %broadcast_in_dim3A : vector<128x1xi1>, vector<128x1xf32>
    %ne3A = arith.constant 0.000000e+00 : f32
    %ne3A_27 = vector.broadcast %ne3A : f32 to vector<128x1xf32>
    %ne3A_28 = arith.cmpf one, %add3A_15, %ne3A_27 : vector<128x1xf32>
    %mul3A = arith.mulf %select_n3A, %add3A_12 : vector<128x1xf32>
    %jit3A_29 = arith.constant 1.000000e+00 : f32
    %broadcast_in_dim3A_30 = vector.broadcast %jit3A_29 : f32 to vector<128x1xf32>
    %select_n3A_31 = arith.select %ne3A_28, %add3A_15, %broadcast_in_dim3A_30 : vector<128x1xi1>, vector<128x1xf32>
    %div3A = arith.divf %mul3A, %select_n3A_31 : vector<128x1xf32>
    %jit3A_32 = arith.constant 0.000000e+00 : f32
    %broadcast_in_dim3A_33 = vector.broadcast %jit3A_32 : f32 to vector<128x1xf32>
    %select_n3A_34 = arith.select %ne3A_28, %div3A, %broadcast_in_dim3A_33 : vector<128x1xi1>, vector<128x1xf32>
    %mul3A_35 = vector.broadcast %select_n3A_34 : vector<128x1xf32> to vector<128x128xf32>
    %mul3A_36 = arith.mulf %add3A, %mul3A_35 : vector<128x128xf32>
    %get3A_37 = arith.constant 0 : index
    %get3A_38 = arith.constant 0 : index
    %get3A_39 = vector.load %arg4[%get3A_37, %get3A_38] : memref<128x128xf32, #tpu.memory_space<vmem>>, vector<128x128xf32>
    %dot_general3A = arith.constant dense<0.000000e+00> : vector<128x128xf32>
    %dot_general3A_40 = tpu.matmul %mul3A_36, %get3A_39, %dot_general3A {dimension_numbers = #tpu.dot_dimension_numbers<[1], [1], [0], [0], [0, 0, 1, 0], [], []>, transpose_lhs_hint = false} : vector<128x128xf32>, vector<128x128xf32>, vector<128x128xf32> -> vector<128x128xf32>
    %get3A_41 = arith.constant 0 : index
    %get3A_42 = arith.constant 0 : index
    %get3A_43 = vector.load %arg5[%get3A_41, %get3A_42] : memref<1x128xf32, #tpu.memory_space<vmem>>, vector<1x128xf32>
    %add3A_44 = vector.broadcast %get3A_43 : vector<1x128xf32> to vector<128x128xf32>
    %add3A_45 = arith.addf %dot_general3A_40, %add3A_44 : vector<128x128xf32>
    %swap3A = arith.constant 0 : index
    %swap3A_46 = arith.constant 0 : index
    %swap3A_47 = vector.load %arg6[%swap3A, %swap3A_46] : memref<128x128xf32, #tpu.memory_space<vmem>>, vector<128x128xf32>
    tpu.vector_store %arg6[%swap3A, %swap3A_46], %add3A_45 {strides = array<i32>} : memref<128x128xf32, #tpu.memory_space<vmem>>, vector<128x128xf32>,
    return
  }
  func.func @transform_0(%arg0: i32) -> (i32, i32, i32) {
    %c0_i32 = arith.constant 0 : i32
    %c0_i32_0 = arith.constant 0 : i32
    %c0_i32_1 = arith.constant 0 : i32
    return %c0_i32, %arg0, %c0_i32_0 : i32, i32, i32
  }
  func.func @transform_1(%arg0: i32) -> (i32, i32) {
    %c0_i32 = arith.constant 0 : i32
    %c0_i32_0 = arith.constant 0 : i32
    return %arg0, %c0_i32 : i32, i32
  }
  func.func @transform_2(%arg0: i32) -> (i32, i32) {
    %c0_i32 = arith.constant 0 : i32
    %c0_i32_0 = arith.constant 0 : i32
    return %arg0, %c0_i32 : i32, i32
  }
  func.func @transform_3(%arg0: i32) -> (i32, i32) {
    %c0_i32 = arith.constant 0 : i32
    %c0_i32_0 = arith.constant 0 : i32
    %c0_i32_1 = arith.constant 0 : i32
    return %c0_i32, %c0_i32_0 : i32, i32
  }
  func.func @transform_4(%arg0: i32) -> (i32, i32) {
    %c0_i32 = arith.constant 0 : i32
    %c0_i32_0 = arith.constant 0 : i32
    %c0_i32_1 = arith.constant 0 : i32
    return %c0_i32, %c0_i32_0 : i32, i32
  }
  func.func @transform_5(%arg0: i32) -> (i32, i32) {
    %c0_i32 = arith.constant 0 : i32
    %c0_i32_0 = arith.constant 0 : i32
    return %arg0, %c0_i32 : i32, i32
  }
}

</mosaic_0001>

<sc_bundles>
// kernel: kernel.6.cloned.1.call-start
scs
__scs_entry_jumppad:
0x0: {  	(pc) =	sbr.rel $0x88, $3  }
0x1: {  	(tag) =	ssettag $0x0;
	lr =	simm.s32 $0x1  }
0x2: {  	[smem:$0x3F9C] =	sst lr;
	_ =	strace $0xD0000000  }
0x3: {  	_ = 	snop  }
0x4: {  	_ = 	snop  }
0x5: {  	_ = 	snop  }
0x6: {  	_ = 	snop  }
0x7: {  	_ = 	snop  }
__scs_overlays_trampoline_lowered:
0x8: {  	[smem:$0x3FAB] =	sst s0  }
0x9: {  	[smem:$0x3FAC] =	sst s1  }
0xa: {  	[smem:$0x3FAD] =	sst s2  }
0xb: {  	[smem:$0x3FAE] =	sst s3  }
0xc: {  	[smem:$0x3FAF] =	sst s4  }
0xd: {  	[smem:$0x3FB0] =	sst s5  }
0xe: {  	[smem:$0x3FB1] =	sst s6  }
0xf: {  	[smem:$0x3FB2] =	sst s7  }
0x10: {  	[smem:$0x3FB3] =	sst s8  }
0x11: {  	[smem:$0x3FB4] =	sst s9;
	s0 =	simm.s32 @!p0 $0x0  }
0x12: {  	s1 =	sld [smem:$0x3F9A];
	s0 =	simm.s32 @p0 $0x1  }
0x13: {  	[smem:$0x3FB5] =	sst s0;
	s0 =	simm.s32 @!p1 $0x0  }
0x14: {  	s2 =	sld [smem:$0x3F99];
	s0 =	simm.s32 @p1 $0x1  }
0x15: {  	[smem:$0x3FB6] =	sst s0;
	s0 =	simm.s32 @!p2 $0x0  }
0x16: {  	s3 =	sld [smem:$0x3FDB];
	s0 =	simm.s32 @p2 $0x1  }
0x17: {  	s4 =	simm.s32 $0x1BF5;
	[smem:$0x3FB8] =	sst s0  }
0x18: {  	s0 =	sld [smem:$0x3F9B];
	_ =	swait.ge [sflag:s4], $0x0  }
0x19: {  	s7 =	sld [smem:$0x3F9C]  }
0x1a: {  	s8 =	sadd.s32 $0xFFFFE003, lr  }
0x1b: {  	s9 =	sadd.s32 $0xFFFFFEF7, lr;
	s5 =	simm.s32 $0xFFFFFFFF;
	p2 =	slt.u32 s8, $0xFFFFF086  }
0x1c: {  	p1 =	slt.u32 s9, $0xF7A;
	s5 =	simm.s32 @!p2 $0x0  }
0x1d: {  	s5 =	simm.s32 @p1 $0x1;
	p0 =	seq.s32 s7, s2  }
0x1e: {  	s7 =	smul.u32 @!p0 $0xF7A, s2;
	p2 =	seq.s32 @!p0 s5, $0x0  }
0x1f: {  	s9 =	smul.u32 $0xF7A, s1;
	s8 =	simm.s32 @!p0 $0x1BF5;
	p2 =	por !p2, p0  }
0x20: {  	[sflag:s8] =	ssyncset.s32 @!p0 $0xFFFFF086;
	s6 =	sadd.s32 @!p0 s3, s7;
	s7 =	simm.s32 @!p0 $0x108  }
0x21: {  	s3 =	sadd.s32 s3, s9;
	s6 =	sadd.s32 @!p0 $0x88, s6;
	s7 =	simm.s32 @p2 $0x1082  }
0x22: {  	[simem:s7], [sflag:s8] =	dma.local @!p0 [hbm:s6], $0xF7A  }
0x23: {  	s9 =	sor.u32 $0xD0000000, s2;
	s6 =	simm.s32 $0x108;
	_ =	swait.ge @!p0 [sflag:s8], $0x0  }
0x24: {  	s3 =	sadd.s32 $0x88, s3;
	s6 =	simm.s32 @!p1 $0x1082;
	[sflag:s4] =	ssyncset.s32 $0xFFFFF086  }
0x25: {  	[simem:s6], [sflag:s4] =	dma.local [hbm:s3], $0xF7A  }
0x26: {  	[smem:$0x3F9C] =	sst s1;
	(tag) =	ssettag s2;
	_ =	strace s9  }
0x27: {  	s1 =	sld [smem:$0x3FAC]  }
0x28: {  	s2 =	sld [smem:$0x3FAD]  }
0x29: {  	s4 =	sld [smem:$0x3FAF]  }
0x2a: {  	p0 =	seq.s32 s5, $0x0;
	s5 =	sld [smem:$0x3FB0]  }
0x2b: {  	s6 =	sld [smem:$0x3FB1]  }
0x2c: {  	s7 =	sld [smem:$0x3FB2]  }
0x2d: {  	s3 =	simm.s32 $0x108;
	s8 =	sld [smem:$0x3FB3]  }
0x2e: {  	s3 =	simm.s32 @!p0 $0x1082;
	s9 =	sld [smem:$0x3FB4]  }
0x2f: {  	lr =	sadd.s32 s0, s3;
	s0 =	sld [smem:$0x3FAB]  }
0x30: {  	s3 =	sld [smem:$0x3FAE]  }
0x31: {  	[smem:$0x3FB7] =	sst s10  }
0x32: {  	s10 =	sld [smem:$0x3FB5];
	_ =	sdelay $0x3  }
0x33: {  	p0 =	seq.s32 s10, $0x1;
	s10 =	sld [smem:$0x3FB7];
	_ =	sdelay $0x3  }
0x34: {  	[smem:$0x3FB7] =	sst s10  }
0x35: {  	s10 =	sld [smem:$0x3FB6];
	_ =	sdelay $0x3  }
0x36: {  	p1 =	seq.s32 s10, $0x1;
	s10 =	sld [smem:$0x3FB7];
	_ =	sdelay $0x3  }
0x37: {  	[smem:$0x3FB7] =	sst s10  }
0x38: {  	s10 =	sld [smem:$0x3FB8]  }
0x39: {  	_ = 	snop;
	(pc) =	sbr.ind lr, $3  }
0x3a: {  	_ = 	snop  }
0x3b: {  	_ = 	snop  }
0x3c: {  	p2 =	seq.s32 s10, $0x1;
	s10 =	sld [smem:$0x3FB7]  }
0x3d: {  	_ =	shalt  }
0x3e: {  	_ =	shalt  }
0x3f: {  	_ =	shalt  }
0x40: {  	_ =	shalt  }
0x41: {  	_ =	shalt  }
0x42: {  	_ =	shalt  }
0x43: {  	_ =	shalt  }
0x44: {  	_ =	shalt  }
0x45: {  	_ =	shalt  }
0x46: {  	_ =	shalt  }
0x47: {  	_ =	shalt  }
0x48: {  	_ =	shalt  }
0x49: {  	_ =	shalt  }
0x4a: {  	_ =	shalt  }
0x4b: {  	_ =	shalt  }
0x4c: {  	_ =	shalt  }
0x4d: {  	_ =	shalt  }
0x4e: {  	_ =	shalt  }
0x4f: {  	_ =	shalt  }
0x50: {  	_ =	shalt  }
0x51: {  	_ =	shalt  }
0x52: {  	_ =	shalt  }
0x53: {  	_ =	shalt  }
0x54: {  	_ =	shalt  }
0x55: {  	_ =	shalt  }
0x56: {  	_ =	shalt  }
0x57: {  	_ =	shalt  }
0x58: {  	_ =	shalt  }
0x59: {  	_ =	shalt  }
0x5a: {  	_ =	shalt  }
0x5b: {  	_ =	shalt  }
0x5c: {  	_ =	shalt  }
0x5d: {  	_ =	shalt  }
0x5e: {  	_ =	shalt  }
0x5f: {  	_ =	shalt  }
0x60: {  	_ =	shalt  }
0x61: {  	_ =	shalt  }
0x62: {  	_ =	shalt  }
0x63: {  	_ =	shalt  }
0x64: {  	_ =	shalt  }
0x65: {  	_ =	shalt  }
0x66: {  	_ =	shalt  }
0x67: {  	_ =	shalt  }
0x68: {  	_ =	shalt  }
0x69: {  	_ =	shalt  }
0x6a: {  	_ =	shalt  }
0x6b: {  	_ =	shalt  }
0x6c: {  	_ =	shalt  }
0x6d: {  	_ =	shalt  }
0x6e: {  	_ =	shalt  }
0x6f: {  	_ =	shalt  }
0x70: {  	_ =	shalt  }
0x71: {  	_ =	shalt  }
0x72: {  	_ =	shalt  }
0x73: {  	_ =	shalt  }
0x74: {  	_ =	shalt  }
0x75: {  	_ =	shalt  }
0x76: {  	_ =	shalt  }
0x77: {  	_ =	shalt  }
0x78: {  	_ =	shalt  }
0x79: {  	_ =	shalt  }
0x7a: {  	_ =	shalt  }
0x7b: {  	_ =	shalt  }
0x7c: {  	_ =	shalt  }
0x7d: {  	_ =	shalt  }
0x7e: {  	_ =	shalt  }
0x7f: {  	_ =	shalt  }
0x80: {  	_ =	shalt  }
0x81: {  	_ =	shalt  }
0x82: {  	_ =	shalt  }
0x83: {  	_ =	shalt  }
0x84: {  	_ =	shalt  }
0x85: {  	_ =	shalt  }
0x86: {  	_ =	shalt  }
0x87: {  	_ =	shalt  }
.Lfunc_end0:
.L_simem_size_0:
called_computation_lowered:
.L_overlay_start_0:
0x88: {  	s2 =	sld [smem:$0x3FD9]  }
0x89: {  	s3 =	sld [smem:$0x3FFE];
	_ =	sdelay $0x1  }
0x8a: {  	s1 =	srdreg.scid  }
0x8b: {  	s0 =	sand.u32 $0x1, s1  }
0x8c: {  	s17 =	sshll.u32 s0, $0xA;
	s2 =	sadd.s32 s3, s2  }
0x8d: {  	s2 =	sadd.s32 s2, s17  }
0x8e: {  	[smem:$0x3FC3] =	sst s2  }
0x8f: {  	_ = 	snop  }
0x90: {  	s2 =	sld [smem:$0x3FD0];
	(tm) =	ssettm $0x1  }
0x91: {  	s18 =	sld [smem:$0x3FFB];
	_ =	sdelay $0x3  }
0x92: {  	_ =	strace s18  }
0x93: {  	s3 =	sld [smem:$0x3FFC];
	_ =	sdelay $0x3  }
0x94: {  	_ =	strace s3  }
0x95: {  	s3 =	sld [smem:$0x3FFD];
	_ =	sdelay $0x3  }
0x96: {  	_ =	strace s3  }
0x97: {  	_ =	strace $0x8FFFFFFF  }
0x98: {  	s19 =	sld [smem:$0x3FDB];
	_ =	sdelay $0x1  }
0x99: {  	s4 =	simm.s32 $_scs_section_size  }
0x9a: {  	s5 =	simm.s32 $_size__tile_overlayer_lowered;
	s6 =	simm.s32 $_tile_overlayer_lowered  }
0x9b: {  	s22 =	simm.s32 $0x1BFF;
	s21 =	sshll.u32 s6, $0x1;
	s3 =	sadd.s32 s4, s19  }
0x9c: {  	s7 =	simm.s32 $0x0;
	s20 =	sshll.u32 s5, $0x1;
	s5 =	sadd.s32 s21, s3  }
0x9d: {  	[timem:s7], [sflag:s22] =	dma.local [hbm:s5], s20  }
0x9e: {  	_ =	swait.ge [sflag:s22], s20  }
0x9f: {  	s4 =	ssub.s32 $0x0, s20;
	[sflag:s22] =	ssyncset.done $0x0  }
0xa0: {  	[sflag:s22] =	ssyncadd.s32 s4;
	_ =	sdelay $0x1  }
0xa1: {  	s23 =	simm.s32 $0x1B8B  }
0xa2: {  	_ =	swait.ge [sflag:s23], $0x1  }
0xa3: {  	[sflag:s23] =	ssyncset.done $0x0  }
0xa4: {  	s25 =	simm.s32 $0x1B8E;
	s24 =	sld [smem:$0x3FFE];
	[sflag:s23] =	ssyncadd.s32 $0xFFFFFFFF  }
0xa5: {  	s26 =	simm.s32 $execute0_lowered;
	[smem:$0x3FD2] =	sst s25  }
0xa6: {  	s5 =	sshll.u32 s26, $0x1;
	_ =	strace $0x80000046;
	[dreg:$0x1] =	wrdreg $0xFFFFFFFF  }
0xa7: {  	s28 =	simm.s32 $_size_execute0_lowered;
	s3 =	sadd.s32 s3, s5;
	[dreg:$0x0] =	wrdreg $0x0  }
0xa8: {  	s5 =	sshll.u32 s28, $0x1;
	[dreg:$0x2] =	wrdreg s3  }
0xa9: {  	[dreg:$0x3] =	wrdreg s5  }
0xaa: {  	[dreg:$0x4] =	wrdreg $0xC0  }
0xab: {  	_ =	task [dreg:s7], $0x5FFFF  }
0xac: {  	[dreg:$0x1] =	wrdreg $0xFFFFFFFF  }
0xad: {  	[dreg:$0x0] =	wrdreg $0x60  }
0xae: {  	[dreg:$0x2] =	wrdreg s2  }
0xaf: {  	[dreg:$0x3] =	wrdreg s24  }
0xb0: {  	[dreg:$0x4] =	wrdreg $0x27880  }
0xb1: {  	[dreg:$0x5] =	wrdreg $0x9  }
0xb2: {  	_ =	task.clear_ibuf [dreg:s7], $0x6FFFF;
	_ =	strace $0x90000046  }
0xb3: {  	s29 =	simm.s32 $0x9;
	_ =	strace $0x80000048  }
0xb4: {  	_ =	swait.ge [sflag:s29], $0x1  }
0xb5: {  	[sflag:s29] =	ssyncadd.s32 $0xFFFFFFFF  }
0xb6: {  	_ =	strace $0x90000048  }
0xb7: {  	_ =	sfence  }
0xb8: {  	s30 =	sld [smem:$0x0];
	_ =	sdelay $0x2  }
0xb9: {  	s31 =	sshll.u32 s1, $0xD;
	s1 =	sshrl.u32 s1, $0x2  }
0xba: {  	s3 =	sand.u32 $0x4000, s31;
	s1 =	sadd.s32 s1, s30  }
0xbb: {  	s0 =	sor.u32 s3, s0;
	s1 =	sshll.u32 s1, $0x11  }
0xbc: {  	s0 =	sor.u32 s1, s0  }
0xbd: {  	s0 =	sadd.s32 $0x8F2B, s0  }
0xbe: {  	[sflag:s0] =	ssyncadd.remote.s32 $0x1  }
0xbf: {  	_ =	sfence.sel $0xFFFF  }
0xc0: {  	[dreg:$0x0] =	wrdreg $0xFFFFFFFF;
	(pc) =	sbr.abs _section_cstart, $3  }
0xc1: {  	[dreg:$0x1] =	wrdreg $0xFFFFFFFF  }
0xc2: {  	_ =	task.clear_ibuf [dreg:s7], $0x2FFFF;
	_ =	strace $0x9FFFFFFF  }
0xc3: {  	(tm) =	ssettm $0x7FFFFFFF  }
tec
execute0_lowered:
.L_overlay_start_1:
0x0: {  	(tag) =	ssettag $0x1  }
0x1: {  	s7 =	rddreg [dreg:$0x0]  }
0x2: {  	s3 =	rddreg [dreg:$0x1]  }
0x3: {  	s1 =	rddreg [dreg:$0x2]  }
0x4: {  	s4 =	srdreg.scid;
	s0 =	rddreg [dreg:$0x3];
	s2 =	simm.s32 $0x0  }
0x5: {  	s16 =	simm.s32 $0x0;
	s6 =	sand.u32 $0x1, s4;
	[smem:$0x7FF] =	sst s2  }
0x6: {  	s4 =	sadd.s32 $0xB000, s3;
	s5 =	sadd.s32 $0xB200, s3;
	s8 =	smul.u32 $0x4F0, s6  }
0x7: {  	_ =	strace $0x80000047;
	s9 =	sshll.u32 s6, $0x4;
	s6 =	ssub.s32 $0x2, s6  }
0x8: {  	s11 =	sshrl.u32 s6, $0x1;
	s8 =	sadd.s32 s8, s3;
	s3 =	stileid.u32  }
0x9: {  	s11 =	ssub.s32 s6, s11;
	s10 =	smul.u32 $0x278, s3;
	s9 =	sor.u32 s3, s9  }
0xa: {  	s14 =	sshll.u32 s3, $0x6;
	s13 =	sadd.s32 $0xB400, s8;
	s8 =	smax.u32 s11, $0x1  }
0xb: {  	s11 =	simm.s32 $0x1;
	s9 =	smul.u32 $0x4E6, s9;
	s6 =	sor.u32 $0x1C01, s14  }
0xc: {  	s14 =	sor.u32 $0x1C02, s14;
	s12 =	sadd.s32 s10, s1;
	s15 =	sshrl.u32 s10, $0x3  }
0xd: {  	s7 =	sadd.s32 s7, s9;
	s9 =	simm.s32 $0x2730;
	s10 =	sshrl.u32 s12, $0x3  }
0xe: {  	s12 =	simm.s32 $0x58;
	s13 =	sadd.s32 s15, s13;
	s15 =	simm.s32 $0x2  }
.LBB2_1:
0xf: {  	[tilespmem:s9], [sflag:$0x1] =	stream.linear.gather [hbm4b:s4+s2], $0x58, $0x38;
	[tilespmem:$0x2A00] =	vst v63  }
0x10: {  	[spmem:s10], [sflag:s6] =	dma.local [hbm:s5], $0x4F  }
0x11: {  	[tilespmem:s2], [sflag:$0x1] =	stream.linear.gather [hbm4b:s7+s2], $0x2730, $0x38;
	[tilespmem:$0x2A00] =	vst v63  }
0x12: {  	_ =	swait.ge [sflag:s11], $0x58  }
0x13: {  	[sflag:s11] =	ssyncset.done $0x0  }
0x14: {  	[sflag:s11] =	ssyncadd.s32 $0xFFFFFFA8  }
0x15: {  	_ =	swait.ge [sflag:s11], $0x4F  }
0x16: {  	[sflag:s11] =	ssyncset.done $0x0  }
0x17: {  	[sflag:s11] =	ssyncadd.s32 $0xFFFFFFB1  }
0x18: {  	_ =	swait.ge [sflag:s11], $0x2730  }
0x19: {  	[sflag:s11] =	ssyncset.done $0x0  }
0x1a: {  	[sflag:s11] =	ssyncadd.s32 $0xFFFFD8D0  }
0x1b: {  	s17 =	simm.s32 $0x0;
	[bflag:$0x0] =	sbarrier.arrive $0xFFFF  }
0x1c: {  	[spmem:s1] =	stream.indirect.scatter.add.f32 [tilespmem:s9], [sflag:$0x1], $0x1, s17, s12, $0xb8;
	[tilespmem:$0x2A00] =	vst v63  }
0x1d: {  	s26 =	simm.s32 $0x58  }
0x1e: {  	[spmem:s1] =	stream.indirect.scatter.add.f32 [tilespmem:s9], [sflag:$0x1], $0x1, s26, s12, $0xb8;
	[tilespmem:$0x2A00] =	vst v63  }
0x1f: {  	s28 =	simm.s32 $0xB0  }
0x20: {  	[spmem:s1] =	stream.indirect.scatter.add.f32 [tilespmem:s9], [sflag:$0x1], $0x1, s28, s12, $0xb8;
	[tilespmem:$0x2A00] =	vst v63  }
0x21: {  	s29 =	simm.s32 $0x108  }
0x22: {  	[spmem:s1] =	stream.indirect.scatter.add.f32 [tilespmem:s9], [sflag:$0x1], $0x1, s29, s12, $0xb8;
	[tilespmem:$0x2A00] =	vst v63  }
0x23: {  	s30 =	simm.s32 $0x160  }
0x24: {  	[spmem:s1] =	stream.indirect.scatter.add.f32 [tilespmem:s9], [sflag:$0x1], $0x1, s30, s12, $0xb8;
	[tilespmem:$0x2A00] =	vst v63  }
0x25: {  	s31 =	simm.s32 $0x1B8  }
0x26: {  	[spmem:s1] =	stream.indirect.scatter.add.f32 [tilespmem:s9], [sflag:$0x1], $0x1, s31, s12, $0xb8;
	[tilespmem:$0x2A00] =	vst v63  }
0x27: {  	_ =	swait.ge [sflag:s11], $0x58  }
0x28: {  	[sflag:s11] =	ssyncset.done $0x0  }
0x29: {  	[sflag:s11] =	ssyncadd.s32 $0xFFFFFFA8  }
0x2a: {  	_ =	swait.ge [sflag:s11], $0x58  }
0x2b: {  	[sflag:s11] =	ssyncset.done $0x0  }
0x2c: {  	[sflag:s11] =	ssyncadd.s32 $0xFFFFFFA8  }
0x2d: {  	_ =	swait.ge [sflag:s11], $0x58  }
0x2e: {  	[sflag:s11] =	ssyncset.done $0x0  }
0x2f: {  	[sflag:s11] =	ssyncadd.s32 $0xFFFFFFA8  }
0x30: {  	_ =	swait.ge [sflag:s11], $0x58  }
0x31: {  	[sflag:s11] =	ssyncset.done $0x0  }
0x32: {  	[sflag:s11] =	ssyncadd.s32 $0xFFFFFFA8  }
0x33: {  	_ =	swait.ge [sflag:s11], $0x58  }
0x34: {  	[sflag:s11] =	ssyncset.done $0x0  }
0x35: {  	[sflag:s11] =	ssyncadd.s32 $0xFFFFFFA8  }
0x36: {  	_ =	swait.ge [sflag:s11], $0x58  }
0x37: {  	s18 =	simm.s32 $0x1080;
	s17 =	simm.s32 $0x840;
	[sflag:s11] =	ssyncset.done $0x0  }
.LBB2_2:
0x38: {  	s19 =	sshra.s32 s17, $0x2  }
0x39: {  	[sflag:s11] =	ssyncadd.s32 $0xFFFFFFA8;
	s17 =	smov.u32 s18;
	s20 =	sadd.s32 $0x840, s18  }
0x3a: {  	[spmem:s1] =	stream.indirect.scatter.add.f32 [tilespmem:s9], [sflag:$0x1], $0x1, s19, s12, $0xb8;
	[tilespmem:$0x2A00] =	vst v63  }
0x3b: {  	p0 =	sne.s32 s18, $0x9480;
	s18 =	sadd.s32 $0x58, s19  }
0x3c: {  	[spmem:s1] =	stream.indirect.scatter.add.f32 [tilespmem:s9], [sflag:$0x1], $0x1, s18, s12, $0xb8;
	[tilespmem:$0x2A00] =	vst v63  }
0x3d: {  	s18 =	sadd.s32 $0xB0, s19  }
0x3e: {  	[spmem:s1] =	stream.indirect.scatter.add.f32 [tilespmem:s9], [sflag:$0x1], $0x1, s18, s12, $0xb8;
	[tilespmem:$0x2A00] =	vst v63  }
0x3f: {  	s18 =	sadd.s32 $0x108, s19  }
0x40: {  	[spmem:s1] =	stream.indirect.scatter.add.f32 [tilespmem:s9], [sflag:$0x1], $0x1, s18, s12, $0xb8;
	[tilespmem:$0x2A00] =	vst v63  }
0x41: {  	s18 =	sadd.s32 $0x160, s19  }
0x42: {  	[spmem:s1] =	stream.indirect.scatter.add.f32 [tilespmem:s9], [sflag:$0x1], $0x1, s18, s12, $0xb8;
	[tilespmem:$0x2A00] =	vst v63  }
0x43: {  	s18 =	sadd.s32 $0x1B8, s19  }
0x44: {  	[spmem:s1] =	stream.indirect.scatter.add.f32 [tilespmem:s9], [sflag:$0x1], $0x1, s18, s12, $0xb8;
	[tilespmem:$0x2A00] =	vst v63  }
0x45: {  	_ =	swait.ge [sflag:s11], $0x58  }
0x46: {  	[sflag:s11] =	ssyncset.done $0x0  }
0x47: {  	[sflag:s11] =	ssyncadd.s32 $0xFFFFFFA8  }
0x48: {  	_ =	swait.ge [sflag:s11], $0x58  }
0x49: {  	[sflag:s11] =	ssyncset.done $0x0  }
0x4a: {  	[sflag:s11] =	ssyncadd.s32 $0xFFFFFFA8  }
0x4b: {  	_ =	swait.ge [sflag:s11], $0x58  }
0x4c: {  	[sflag:s11] =	ssyncset.done $0x0  }
0x4d: {  	[sflag:s11] =	ssyncadd.s32 $0xFFFFFFA8  }
0x4e: {  	_ =	swait.ge [sflag:s11], $0x58  }
0x4f: {  	[sflag:s11] =	ssyncset.done $0x0  }
0x50: {  	[sflag:s11] =	ssyncadd.s32 $0xFFFFFFA8  }
.Ltmp0:
0x51: {  	_ =	swait.ge [sflag:s11], $0x58;
	(pc) =	sbr.rel @p0 .LBB2_2-.Ltmp0, $4  }
0x52: {  	[sflag:s11] =	ssyncset.done $0x0  }
0x53: {  	[sflag:s11] =	ssyncadd.s32 $0xFFFFFFA8  }
0x54: {  	_ =	swait.ge [sflag:s11], $0x58  }
0x55: {  	s18 =	smov.u32 s20;
	[sflag:s11] =	ssyncset.done $0x0  }
0x56: {  	s17 =	sshra.s32 s17, $0x2;
	[sflag:s11] =	ssyncadd.s32 $0xFFFFFFA8  }
0x57: {  	[spmem:s1] =	stream.indirect.scatter.add.f32 [tilespmem:s9], [sflag:$0x1], $0x1, s17, s12, $0xb8;
	[tilespmem:$0x2A00] =	vst v63  }
0x58: {  	s18 =	sadd.s32 $0x58, s17  }
0x59: {  	[spmem:s1] =	stream.indirect.scatter.add.f32 [tilespmem:s9], [sflag:$0x1], $0x1, s18, s12, $0xb8;
	[tilespmem:$0x2A00] =	vst v63  }
0x5a: {  	s29 =	sadd.s32 $0xB0, s17  }
0x5b: {  	[spmem:s1] =	stream.indirect.scatter.add.f32 [tilespmem:s9], [sflag:$0x1], $0x1, s29, s12, $0xb8;
	[tilespmem:$0x2A00] =	vst v63  }
0x5c: {  	s30 =	sadd.s32 $0x108, s17  }
0x5d: {  	[spmem:s1] =	stream.indirect.scatter.add.f32 [tilespmem:s9], [sflag:$0x1], $0x1, s30, s12, $0xb8;
	[tilespmem:$0x2A00] =	vst v63  }
0x5e: {  	s31 =	sadd.s32 $0x160, s17  }
0x5f: {  	[spmem:s1] =	stream.indirect.scatter.add.f32 [tilespmem:s9], [sflag:$0x1], $0x1, s31, s12, $0xb8;
	[tilespmem:$0x2A00] =	vst v63  }
0x60: {  	s17 =	sadd.s32 $0x1B8, s17  }
0x61: {  	[spmem:s1] =	stream.indirect.scatter.add.f32 [tilespmem:s9], [sflag:$0x1], $0x1, s17, s12, $0xb8;
	[tilespmem:$0x2A00] =	vst v63  }
0x62: {  	_ =	swait.ge [sflag:s11], $0x58  }
0x63: {  	[sflag:s11] =	ssyncset.done $0x0  }
0x64: {  	[sflag:s11] =	ssyncadd.s32 $0xFFFFFFA8  }
0x65: {  	_ =	swait.ge [sflag:s11], $0x58  }
0x66: {  	[sflag:s11] =	ssyncset.done $0x0  }
0x67: {  	[sflag:s11] =	ssyncadd.s32 $0xFFFFFFA8  }
0x68: {  	_ =	swait.ge [sflag:s11], $0x58  }
0x69: {  	[sflag:s11] =	ssyncset.done $0x0  }
0x6a: {  	[sflag:s11] =	ssyncadd.s32 $0xFFFFFFA8  }
0x6b: {  	_ =	swait.ge [sflag:s11], $0x58  }
0x6c: {  	[sflag:s11] =	ssyncset.done $0x0  }
0x6d: {  	[sflag:s11] =	ssyncadd.s32 $0xFFFFFFA8  }
0x6e: {  	_ =	swait.ge [sflag:s11], $0x58  }
0x6f: {  	[sflag:s11] =	ssyncset.done $0x0  }
0x70: {  	[sflag:s11] =	ssyncadd.s32 $0xFFFFFFA8  }
0x71: {  	_ =	swait.ge [sflag:s11], $0x58  }
0x72: {  	s16 =	sadd.s32 $0x1, s16;
	[sflag:s11] =	ssyncset.done $0x0  }
0x73: {  	p0 =	sne.s32 s16, s8;
	[sflag:s11] =	ssyncadd.s32 $0xFFFFFFA8  }
.Ltmp1:
0x74: {  	[bflag:$0x0] =	sbarrier.arrive $0xFFFF;
	(pc) =	sbr.rel @p0 .LBB2_1-.Ltmp1, $4  }
0x75: {  	[hbm:s13], [sflag:s14] =	dma.local [spmem:s10], $0x4F  }
0x76: {  	_ =	swait.ge [sflag:s15], $0x4F  }
0x77: {  	[sflag:s15] =	ssyncset.done $0x0  }
0x78: {  	[sflag:s15] =	ssyncadd.s32 $0xFFFFFFB1  }
0x79: {  	_ =	sfence.sel $0x180000  }
0x7a: {  	[bflag:$0x0] =	sbarrier.arrive $0xFFFF  }
0x7b: {  	p0 =	sne.s32 s3, $0x0;
	_ =	strace $0x90000047  }
0x7c: {  	s0 =	sadd.s32 @!p0 $0x100000, s0;
	[bflag:$0x2] =	sbarrier.arrive $0xFFFF  }
0x7d: {  	[sflag:s0] =	ssyncadd.tile.s32 @!p0 $0x1;
	_ =	shalt  }
.Lfunc_end2:
_tile_overlayer_lowered:
.L_overlay_start_2:
0x7e: {  	(tag) =	ssettag $0x2  }
0x7f: {  	s0 =	rddreg [dreg:$0x0];
	s2 =	stileid.u32  }
0x80: {  	s1 =	rddreg [dreg:$0x1];
	p0 =	sne.s32 s2, $0x0  }
0x81: {  	s3 =	rddreg [dreg:$0x2];
	[bflag:$0x3] =	sbarrier.arrive $0xFFFF;
	s2 =	simm.s32 @!p0 $0x1C02  }
0x82: {  	[timem:s3], [sflag:s2] =	dma.local @!p0 [hbm:s0], s1  }
0x83: {  	s0 =	simm.s32 @!p0 $0x2  }
0x84: {  	_ =	swait.ge @!p0 [sflag:s0], s1  }
0x85: {  	s1 =	ssub.s32 @!p0 $0x0, s1;
	[sflag:s0] =	ssyncset.done @!p0 $0x0  }
0x86: {  	[sflag:s0] =	ssyncadd.s32 @!p0 s1  }
0x87: {  	[bflag:$0x3] =	sbarrier.arrive $0xFFFF  }
0x88: {  	_ =	shalt  }

// kernel: kernel.9.cloned.1.call-start
scs
__scs_entry_jumppad:
0x0: {  	(pc) =	sbr.rel $0x88, $3  }
0x1: {  	(tag) =	ssettag $0x0;
	lr =	simm.s32 $0x1  }
0x2: {  	[smem:$0x3F9C] =	sst lr;
	_ =	strace $0xD0000000  }
0x3: {  	_ = 	snop  }
0x4: {  	_ = 	snop  }
0x5: {  	_ = 	snop  }
0x6: {  	_ = 	snop  }
0x7: {  	_ = 	snop  }
__scs_overlays_trampoline_lowered:
0x8: {  	[smem:$0x3FAB] =	sst s0  }
0x9: {  	[smem:$0x3FAC] =	sst s1  }
0xa: {  	[smem:$0x3FAD] =	sst s2  }
0xb: {  	[smem:$0x3FAE] =	sst s3  }
0xc: {  	[smem:$0x3FAF] =	sst s4  }
0xd: {  	[smem:$0x3FB0] =	sst s5  }
0xe: {  	[smem:$0x3FB1] =	sst s6  }
0xf: {  	[smem:$0x3FB2] =	sst s7  }
0x10: {  	[smem:$0x3FB3] =	sst s8  }
0x11: {  	[smem:$0x3FB4] =	sst s9;
	s0 =	simm.s32 @!p0 $0x0  }
0x12: {  	s1 =	sld [smem:$0x3F9A];
	s0 =	simm.s32 @p0 $0x1  }
0x13: {  	[smem:$0x3FB5] =	sst s0;
	s0 =	simm.s32 @!p1 $0x0  }
0x14: {  	s2 =	sld [smem:$0x3F99];
	s0 =	simm.s32 @p1 $0x1  }
0x15: {  	[smem:$0x3FB6] =	sst s0;
	s0 =	simm.s32 @!p2 $0x0  }
0x16: {  	s3 =	sld [smem:$0x3FDB];
	s0 =	simm.s32 @p2 $0x1  }
0x17: {  	s4 =	simm.s32 $0x1BF5;
	[smem:$0x3FB8] =	sst s0  }
0x18: {  	s0 =	sld [smem:$0x3F9B];
	_ =	swait.ge [sflag:s4], $0x0  }
0x19: {  	s7 =	sld [smem:$0x3F9C]  }
0x1a: {  	s8 =	sadd.s32 $0xFFFFE003, lr  }
0x1b: {  	s9 =	sadd.s32 $0xFFFFFEF7, lr;
	s5 =	simm.s32 $0xFFFFFFFF;
	p2 =	slt.u32 s8, $0xFFFFF086  }
0x1c: {  	p1 =	slt.u32 s9, $0xF7A;
	s5 =	simm.s32 @!p2 $0x0  }
0x1d: {  	s5 =	simm.s32 @p1 $0x1;
	p0 =	seq.s32 s7, s2  }
0x1e: {  	s7 =	smul.u32 @!p0 $0xF7A, s2;
	p2 =	seq.s32 @!p0 s5, $0x0  }
0x1f: {  	s9 =	smul.u32 $0xF7A, s1;
	s8 =	simm.s32 @!p0 $0x1BF5;
	p2 =	por !p2, p0  }
0x20: {  	[sflag:s8] =	ssyncset.s32 @!p0 $0xFFFFF086;
	s6 =	sadd.s32 @!p0 s3, s7;
	s7 =	simm.s32 @!p0 $0x108  }
0x21: {  	s3 =	sadd.s32 s3, s9;
	s6 =	sadd.s32 @!p0 $0x88, s6;
	s7 =	simm.s32 @p2 $0x1082  }
0x22: {  	[simem:s7], [sflag:s8] =	dma.local @!p0 [hbm:s6], $0xF7A  }
0x23: {  	s9 =	sor.u32 $0xD0000000, s2;
	s6 =	simm.s32 $0x108;
	_ =	swait.ge @!p0 [sflag:s8], $0x0  }
0x24: {  	s3 =	sadd.s32 $0x88, s3;
	s6 =	simm.s32 @!p1 $0x1082;
	[sflag:s4] =	ssyncset.s32 $0xFFFFF086  }
0x25: {  	[simem:s6], [sflag:s4] =	dma.local [hbm:s3], $0xF7A  }
0x26: {  	[smem:$0x3F9C] =	sst s1;
	(tag) =	ssettag s2;
	_ =	strace s9  }
0x27: {  	s1 =	sld [smem:$0x3FAC]  }
0x28: {  	s2 =	sld [smem:$0x3FAD]  }
0x29: {  	s4 =	sld [smem:$0x3FAF]  }
0x2a: {  	p0 =	seq.s32 s5, $0x0;
	s5 =	sld [smem:$0x3FB0]  }
0x2b: {  	s6 =	sld [smem:$0x3FB1]  }
0x2c: {  	s7 =	sld [smem:$0x3FB2]  }
0x2d: {  	s3 =	simm.s32 $0x108;
	s8 =	sld [smem:$0x3FB3]  }
0x2e: {  	s3 =	simm.s32 @!p0 $0x1082;
	s9 =	sld [smem:$0x3FB4]  }
0x2f: {  	lr =	sadd.s32 s0, s3;
	s0 =	sld [smem:$0x3FAB]  }
0x30: {  	s3 =	sld [smem:$0x3FAE]  }
0x31: {  	[smem:$0x3FB7] =	sst s10  }
0x32: {  	s10 =	sld [smem:$0x3FB5];
	_ =	sdelay $0x3  }
0x33: {  	p0 =	seq.s32 s10, $0x1;
	s10 =	sld [smem:$0x3FB7];
	_ =	sdelay $0x3  }
0x34: {  	[smem:$0x3FB7] =	sst s10  }
0x35: {  	s10 =	sld [smem:$0x3FB6];
	_ =	sdelay $0x3  }
0x36: {  	p1 =	seq.s32 s10, $0x1;
	s10 =	sld [smem:$0x3FB7];
	_ =	sdelay $0x3  }
0x37: {  	[smem:$0x3FB7] =	sst s10  }
0x38: {  	s10 =	sld [smem:$0x3FB8]  }
0x39: {  	_ = 	snop;
	(pc) =	sbr.ind lr, $3  }
0x3a: {  	_ = 	snop  }
0x3b: {  	_ = 	snop  }
0x3c: {  	p2 =	seq.s32 s10, $0x1;
	s10 =	sld [smem:$0x3FB7]  }
0x3d: {  	_ =	shalt  }
0x3e: {  	_ =	shalt  }
0x3f: {  	_ =	shalt  }
0x40: {  	_ =	shalt  }
0x41: {  	_ =	shalt  }
0x42: {  	_ =	shalt  }
0x43: {  	_ =	shalt  }
0x44: {  	_ =	shalt  }
0x45: {  	_ =	shalt  }
0x46: {  	_ =	shalt  }
0x47: {  	_ =	shalt  }
0x48: {  	_ =	shalt  }
0x49: {  	_ =	shalt  }
0x4a: {  	_ =	shalt  }
0x4b: {  	_ =	shalt  }
0x4c: {  	_ =	shalt  }
0x4d: {  	_ =	shalt  }
0x4e: {  	_ =	shalt  }
0x4f: {  	_ =	shalt  }
0x50: {  	_ =	shalt  }
0x51: {  	_ =	shalt  }
0x52: {  	_ =	shalt  }
0x53: {  	_ =	shalt  }
0x54: {  	_ =	shalt  }
0x55: {  	_ =	shalt  }
0x56: {  	_ =	shalt  }
0x57: {  	_ =	shalt  }
0x58: {  	_ =	shalt  }
0x59: {  	_ =	shalt  }
0x5a: {  	_ =	shalt  }
0x5b: {  	_ =	shalt  }
0x5c: {  	_ =	shalt  }
0x5d: {  	_ =	shalt  }
0x5e: {  	_ =	shalt  }
0x5f: {  	_ =	shalt  }
0x60: {  	_ =	shalt  }
0x61: {  	_ =	shalt  }
0x62: {  	_ =	shalt  }
0x63: {  	_ =	shalt  }
0x64: {  	_ =	shalt  }
0x65: {  	_ =	shalt  }
0x66: {  	_ =	shalt  }
0x67: {  	_ =	shalt  }
0x68: {  	_ =	shalt  }
0x69: {  	_ =	shalt  }
0x6a: {  	_ =	shalt  }
0x6b: {  	_ =	shalt  }
0x6c: {  	_ =	shalt  }
0x6d: {  	_ =	shalt  }
0x6e: {  	_ =	shalt  }
0x6f: {  	_ =	shalt  }
0x70: {  	_ =	shalt  }
0x71: {  	_ =	shalt  }
0x72: {  	_ =	shalt  }
0x73: {  	_ =	shalt  }
0x74: {  	_ =	shalt  }
0x75: {  	_ =	shalt  }
0x76: {  	_ =	shalt  }
0x77: {  	_ =	shalt  }
0x78: {  	_ =	shalt  }
0x79: {  	_ =	shalt  }
0x7a: {  	_ =	shalt  }
0x7b: {  	_ =	shalt  }
0x7c: {  	_ =	shalt  }
0x7d: {  	_ =	shalt  }
0x7e: {  	_ =	shalt  }
0x7f: {  	_ =	shalt  }
0x80: {  	_ =	shalt  }
0x81: {  	_ =	shalt  }
0x82: {  	_ =	shalt  }
0x83: {  	_ =	shalt  }
0x84: {  	_ =	shalt  }
0x85: {  	_ =	shalt  }
0x86: {  	_ =	shalt  }
0x87: {  	_ =	shalt  }
.Lfunc_end0:
.L_simem_size_0:
called_computation.1_lowered:
.L_overlay_start_0:
0x88: {  	s2 =	sld [smem:$0x3FD9]  }
0x89: {  	s3 =	sld [smem:$0x3FFE];
	_ =	sdelay $0x1  }
0x8a: {  	s1 =	srdreg.scid  }
0x8b: {  	s0 =	sand.u32 $0x1, s1  }
0x8c: {  	s17 =	sshll.u32 s0, $0xA;
	s2 =	sadd.s32 s3, s2  }
0x8d: {  	s2 =	sadd.s32 s2, s17  }
0x8e: {  	[smem:$0x3FC3] =	sst s2  }
0x8f: {  	_ = 	snop  }
0x90: {  	s2 =	sld [smem:$0x3FD0];
	(tm) =	ssettm $0x1  }
0x91: {  	s18 =	sld [smem:$0x3FFB];
	_ =	sdelay $0x3  }
0x92: {  	_ =	strace s18  }
0x93: {  	s3 =	sld [smem:$0x3FFC];
	_ =	sdelay $0x3  }
0x94: {  	_ =	strace s3  }
0x95: {  	s3 =	sld [smem:$0x3FFD];
	_ =	sdelay $0x3  }
0x96: {  	_ =	strace s3  }
0x97: {  	_ =	strace $0x8FFFFFFF  }
0x98: {  	s19 =	sld [smem:$0x3FDB];
	_ =	sdelay $0x1  }
0x99: {  	s4 =	simm.s32 $_scs_section_size  }
0x9a: {  	s5 =	simm.s32 $_size__tile_overlayer_lowered;
	s6 =	simm.s32 $_tile_overlayer_lowered  }
0x9b: {  	s22 =	simm.s32 $0x1BFF;
	s21 =	sshll.u32 s6, $0x1;
	s3 =	sadd.s32 s4, s19  }
0x9c: {  	s7 =	simm.s32 $0x0;
	s20 =	sshll.u32 s5, $0x1;
	s5 =	sadd.s32 s21, s3  }
0x9d: {  	[timem:s7], [sflag:s22] =	dma.local [hbm:s5], s20  }
0x9e: {  	_ =	swait.ge [sflag:s22], s20  }
0x9f: {  	s4 =	ssub.s32 $0x0, s20;
	[sflag:s22] =	ssyncset.done $0x0  }
0xa0: {  	[sflag:s22] =	ssyncadd.s32 s4;
	_ =	sdelay $0x1  }
0xa1: {  	s23 =	simm.s32 $0x1B8B  }
0xa2: {  	_ =	swait.ge [sflag:s23], $0x1  }
0xa3: {  	[sflag:s23] =	ssyncset.done $0x0  }
0xa4: {  	s25 =	simm.s32 $0x1B8E;
	s24 =	sld [smem:$0x3FFE];
	[sflag:s23] =	ssyncadd.s32 $0xFFFFFFFF  }
0xa5: {  	s26 =	simm.s32 $execute0_lowered;
	[smem:$0x3FD2] =	sst s25  }
0xa6: {  	s5 =	sshll.u32 s26, $0x1;
	_ =	strace $0x80000049;
	[dreg:$0x1] =	wrdreg $0xFFFFFFFF  }
0xa7: {  	s28 =	simm.s32 $_size_execute0_lowered;
	s3 =	sadd.s32 s3, s5;
	[dreg:$0x0] =	wrdreg $0x0  }
0xa8: {  	s5 =	sshll.u32 s28, $0x1;
	[dreg:$0x2] =	wrdreg s3  }
0xa9: {  	[dreg:$0x3] =	wrdreg s5  }
0xaa: {  	[dreg:$0x4] =	wrdreg $0xC0  }
0xab: {  	_ =	task [dreg:s7], $0x5FFFF  }
0xac: {  	[dreg:$0x1] =	wrdreg $0xFFFFFFFF  }
0xad: {  	[dreg:$0x0] =	wrdreg $0x60  }
0xae: {  	[dreg:$0x2] =	wrdreg s24  }
0xaf: {  	[dreg:$0x3] =	wrdreg s2  }
0xb0: {  	[dreg:$0x4] =	wrdreg $0xABE00  }
0xb1: {  	[dreg:$0x5] =	wrdreg $0x9  }
0xb2: {  	_ =	task.clear_ibuf [dreg:s7], $0x6FFFF;
	_ =	strace $0x90000049  }
0xb3: {  	s29 =	simm.s32 $0x9;
	_ =	strace $0x8000004B  }
0xb4: {  	_ =	swait.ge [sflag:s29], $0x1  }
0xb5: {  	[sflag:s29] =	ssyncadd.s32 $0xFFFFFFFF  }
0xb6: {  	_ =	strace $0x9000004B  }
0xb7: {  	_ =	sfence  }
0xb8: {  	s30 =	sld [smem:$0x0];
	_ =	sdelay $0x2  }
0xb9: {  	s31 =	sshll.u32 s1, $0xD;
	s1 =	sshrl.u32 s1, $0x2  }
0xba: {  	s3 =	sand.u32 $0x4000, s31;
	s1 =	sadd.s32 s1, s30  }
0xbb: {  	s0 =	sor.u32 s3, s0;
	s1 =	sshll.u32 s1, $0x11  }
0xbc: {  	s0 =	sor.u32 s1, s0  }
0xbd: {  	s0 =	sadd.s32 $0x8F2B, s0  }
0xbe: {  	[sflag:s0] =	ssyncadd.remote.s32 $0x1  }
0xbf: {  	_ =	sfence.sel $0xFFFF  }
0xc0: {  	[dreg:$0x0] =	wrdreg $0xFFFFFFFF;
	(pc) =	sbr.abs _section_cstart, $3  }
0xc1: {  	[dreg:$0x1] =	wrdreg $0xFFFFFFFF  }
0xc2: {  	_ =	task.clear_ibuf [dreg:s7], $0x2FFFF;
	_ =	strace $0x9FFFFFFF  }
0xc3: {  	(tm) =	ssettm $0x7FFFFFFF  }
tec
execute0_lowered:
.L_overlay_start_1:
0x0: {  	(tag) =	ssettag $0x1  }
0x1: {  	s6 =	rddreg [dreg:$0x0]  }
0x2: {  	s7 =	rddreg [dreg:$0x1]  }
0x3: {  	s0 =	srdreg.scid;
	s2 =	rddreg [dreg:$0x2]  }
0x4: {  	s1 =	stileid.u32;
	s3 =	simm.s32 $0x0;
	s14 =	simm.s32 $0x58  }
0x5: {  	s15 =	simm.s32 $0x4E60;
	s16 =	simm.s32 $0x2788;
	s17 =	simm.s32 $0x7D20  }
0x6: {  	s18 =	simm.s32 $0x3;
	s19 =	simm.s32 $0x27E0;
	s20 =	simm.s32 $0x4  }
0x7: {  	s24 =	simm.s32 $0x0;
	s5 =	sand.u32 $0x1, s0;
	s0 =	rddreg [dreg:$0x3]  }
0x8: {  	[smem:$0x7FF] =	sst s3;
	s12 =	smul.u32 $0x14FC0, s1;
	s22 =	sshll.u32 s1, $0x6  }
0x9: {  	s4 =	sshll.u32 s5, $0x4;
	_ =	strace $0x8000004A;
	s9 =	smul.u32 $0x29F80, s5  }
0xa: {  	s11 =	ssub.s32 $0x2, s5;
	s5 =	sadd.s32 $0xB000, s6;
	s4 =	sor.u32 s1, s4  }
0xb: {  	s31 =	sshrl.u32 s11, $0x1;
	s13 =	sadd.s32 s12, s2;
	s23 =	sshrl.u32 s12, $0x3  }
0xc: {  	s12 =	simm.s32 $0x1;
	s8 =	smul.u32 $0x4E6, s4;
	s4 =	sadd.s32 $0x5A000, s6  }
.Ltmp0:
0xd: {  	s9 =	sadd.s32 s9, s6;
	s11 =	ssub.s32 s11, s31;
	(pc) =	sbr.rel .LBB2_1-.Ltmp0, $4  }
0xe: {  	s21 =	sadd.s32 $0x84000, s9;
	s9 =	smax.u32 s11, $0x1;
	s11 =	simm.s32 $0x2730  }
0xf: {  	s10 =	sadd.s32 s8, s6;
	s6 =	sor.u32 $0x1C01, s22;
	s7 =	sadd.s32 s7, s8  }
0x10: {  	s21 =	sadd.s32 s23, s21;
	s22 =	sor.u32 $0x1C05, s22;
	s23 =	simm.s32 $0x5  }
0x11: {  	s8 =	sadd.s32 $0x1200, s10;
	s10 =	sshrl.u32 s13, $0x3;
	s13 =	simm.s32 $0x2  }
.LBB2_4:
0x12: {  	_ =	swait.ge [sflag:s20], $0x2EC0  }
0x13: {  	s24 =	sadd.s32 $0x1, s24;
	[sflag:s20] =	ssyncset.done $0x0  }
0x14: {  	p0 =	sne.s32 s24, s9;
	[sflag:s20] =	ssyncadd.s32 $0xFFFFD140  }
.Ltmp1:
0x15: {  	[bflag:$0x0] =	sbarrier.arrive $0xFFFF;
	(pc) =	sbr.rel @!p0 .LBB2_5-.Ltmp1, $4  }
0x16: {  	[hbm:s21], [sflag:s22] =	dma.local [spmem:s10], $0x29F8  }
0x17: {  	_ =	swait.ge [sflag:s23], $0x29F8  }
0x18: {  	[sflag:s23] =	ssyncset.done $0x0  }
0x19: {  	[sflag:s23] =	ssyncadd.s32 $0xFFFFD608  }
.LBB2_1:
0x1a: {  	[spmem:s10], [sflag:s6] =	dma.local [hbm:s5], $0x29F8  }
0x1b: {  	[tilespmem:s3], [sflag:$0x2] =	stream.linear.gather [hbm4b:s7+s3], $0x2730, $0x38;
	[tilespmem:$0x1FBA0] =	vst v63  }
0x1c: {  	_ = 	snop  }
0x1d: {  	[tilespmem:s11], [sflag:$0x2] =	stream.linear.gather [hbm4b:s8+s3], $0x2730, $0x38;
	[tilespmem:$0x1FBA0] =	vst v63  }
0x1e: {  	_ =	swait.ge [sflag:s12], $0x29F8  }
0x1f: {  	[sflag:s12] =	ssyncset.done $0x0  }
0x20: {  	[sflag:s12] =	ssyncadd.s32 $0xFFFFD608  }
0x21: {  	_ =	swait.ge [sflag:s13], $0x2730  }
0x22: {  	[sflag:s13] =	ssyncset.done $0x0  }
0x23: {  	[sflag:s13] =	ssyncadd.s32 $0xFFFFD8D0  }
0x24: {  	_ =	swait.ge [sflag:s13], $0x2730  }
0x25: {  	[sflag:s13] =	ssyncset.done $0x0  }
0x26: {  	[sflag:s13] =	ssyncadd.s32 $0xFFFFD8D0  }
0x27: {  	[bflag:$0x0] =	sbarrier.arrive $0xFFFF  }
0x28: {  	[tilespmem:s15], [sflag:$0x1] =	stream.indirect.gather [hbm4b:s4+s14], $0x88, s11, s14, $0xb8;
	[tilespmem:$0x1FBA0] =	vst v63  }
0x29: {  	_ =	swait.ge [sflag:s12], $0x2EC0  }
0x2a: {  	[sflag:s12] =	ssyncset.done $0x0  }
0x2b: {  	[sflag:s12] =	ssyncadd.s32 $0xFFFFD140  }
0x2c: {  	[spmem:s2] =	stream.indirect.scatter.add.f32 [tilespmem:s15], [sflag:$0x3], $0x88, s3, s14, $0xb8;
	[tilespmem:$0x1FBA0] =	vst v63  }
0x2d: {  	_ = 	snop  }
0x2e: {  	[tilespmem:s17], [sflag:$0x2] =	stream.indirect.gather [hbm4b:s4+s14], $0x88, s16, s14, $0xb8;
	[tilespmem:$0x1FBA0] =	vst v63  }
0x2f: {  	_ =	swait.ge [sflag:s13], $0x2EC0  }
0x30: {  	[sflag:s13] =	ssyncset.done $0x0  }
0x31: {  	[sflag:s13] =	ssyncadd.s32 $0xFFFFD140  }
0x32: {  	[spmem:s2] =	stream.indirect.scatter.add.f32 [tilespmem:s17], [sflag:$0x4], $0x88, s14, s14, $0xb8;
	[tilespmem:$0x1FBA0] =	vst v63  }
0x33: {  	_ =	swait.ge [sflag:s18], $0x2EC0  }
0x34: {  	[sflag:s18] =	ssyncset.done $0x0  }
0x35: {  	s25 =	simm.s32 $0xFFFF68C0;
	[sflag:s18] =	ssyncadd.s32 $0xFFFFD140  }
0x36: {  	[tilespmem:s15], [sflag:$0x1] =	stream.indirect.gather [hbm4b:s4+s14], $0x88, s19, s14, $0xb8;
	[tilespmem:$0x1FBA0] =	vst v63  }
.LBB2_2:
0x37: {  	_ =	swait.ge [sflag:s12], $0x2EC0  }
0x38: {  	s26 =	sshra.s32 s25, $0x2;
	[sflag:s12] =	ssyncset.done $0x0  }
0x39: {  	s28 =	sadd.s32 $0x2680, s26;
	[sflag:s12] =	ssyncadd.s32 $0xFFFFD140  }
0x3a: {  	[spmem:s2] =	stream.indirect.scatter.add.f32 [tilespmem:s15], [sflag:$0x3], $0x88, s28, s14, $0xb8;
	[tilespmem:$0x1FBA0] =	vst v63  }
0x3b: {  	_ =	swait.ge [sflag:s20], $0x2EC0  }
0x3c: {  	[sflag:s20] =	ssyncset.done $0x0  }
0x3d: {  	s30 =	sadd.s32 $0x4E08, s26;
	[sflag:s20] =	ssyncadd.s32 $0xFFFFD140  }
0x3e: {  	[tilespmem:s17], [sflag:$0x2] =	stream.indirect.gather [hbm4b:s4+s14], $0x88, s30, s14, $0xb8;
	[tilespmem:$0x1FBA0] =	vst v63  }
0x3f: {  	_ =	swait.ge [sflag:s13], $0x2EC0  }
0x40: {  	p0 =	seq.s32 s25, $0x0;
	[sflag:s13] =	ssyncset.done $0x0  }
.Ltmp2:
0x41: {  	s31 =	sadd.s32 $0x26D8, s26;
	[sflag:s13] =	ssyncadd.s32 $0xFFFFD140;
	(pc) =	sbr.rel @p0 .LBB2_4-.Ltmp2, $4  }
0x42: {  	[spmem:s2] =	stream.indirect.scatter.add.f32 [tilespmem:s17], [sflag:$0x4], $0x88, s31, s14, $0xb8;
	[tilespmem:$0x1FBA0] =	vst v63  }
0x43: {  	_ =	swait.ge [sflag:s18], $0x2EC0  }
0x44: {  	[sflag:s18] =	ssyncset.done $0x0  }
0x45: {  	[sflag:s18] =	ssyncadd.s32 $0xFFFFD140  }
.Ltmp3:
0x46: {  	(pc) =	sbr.rel .LBB2_2-.Ltmp3, $3  }
0x47: {  	_ =	sdelay $0x1  }
0x48: {  	s26 =	sadd.s32 $0x4E60, s26;
	s25 =	sadd.s32 $0x2C0, s25  }
0x49: {  	[tilespmem:s15], [sflag:$0x1] =	stream.indirect.gather [hbm4b:s4+s14], $0x88, s26, s14, $0xb8;
	[tilespmem:$0x1FBA0] =	vst v63  }
.LBB2_5:
0x4a: {  	_ =	sfence.sel $0x180000  }
0x4b: {  	[bflag:$0x0] =	sbarrier.arrive $0xFFFF  }
0x4c: {  	p0 =	sne.s32 s1, $0x0;
	_ =	strace $0x9000004A  }
0x4d: {  	s0 =	sadd.s32 @!p0 $0x100000, s0;
	[bflag:$0x2] =	sbarrier.arrive $0xFFFF  }
0x4e: {  	[sflag:s0] =	ssyncadd.tile.s32 @!p0 $0x1;
	_ =	shalt  }
.Lfunc_end2:
_tile_overlayer_lowered:
.L_overlay_start_2:
0x4f: {  	(tag) =	ssettag $0x2  }
0x50: {  	s0 =	rddreg [dreg:$0x0];
	s2 =	stileid.u32  }
0x51: {  	s1 =	rddreg [dreg:$0x1];
	p0 =	sne.s32 s2, $0x0  }
0x52: {  	s3 =	rddreg [dreg:$0x2];
	[bflag:$0x3] =	sbarrier.arrive $0xFFFF;
	s2 =	simm.s32 @!p0 $0x1C05  }
0x53: {  	[timem:s3], [sflag:s2] =	dma.local @!p0 [hbm:s0], s1  }
0x54: {  	s0 =	simm.s32 @!p0 $0x5  }
0x55: {  	_ =	swait.ge @!p0 [sflag:s0], s1  }
0x56: {  	s1 =	ssub.s32 @!p0 $0x0, s1;
	[sflag:s0] =	ssyncset.done @!p0 $0x0  }
0x57: {  	[sflag:s0] =	ssyncadd.s32 @!p0 s1  }
0x58: {  	[bflag:$0x3] =	sbarrier.arrive $0xFFFF  }
0x59: {  	_ =	shalt  }

</sc_bundles>
